<compile_context>
chip_gen: v7x
topology: tpu7x:2x2x1
jax: 0.10.2.dev20260603
libtpu: 0.0.44.dev20260713+nightly
codegen_flags: <defaults>
</compile_context>

<pallas_src>
import functools

import jax
import jax.numpy as jnp
from jax import lax
from jax.experimental import pallas as pl
from jax.experimental.pallas import tpu as pltpu
from jax.experimental.pallas import tpu_sc as plsc

N = 10000
E = 320000
NPAD = 10112
EPAD = 327680
K = 128
RB = 40
NRB1 = 2
NRB2 = 4
ZROWS = 632
MB = 5000

_mesh = plsc.VectorSubcoreMesh(core_axis_name="c", subcore_axis_name="s")


def _edge_chunks(tab, src, dst, t, sidx, didx, gbuf, acc, sga, sgb, nrb):
    def _gather(k, b, sem):
        return pltpu.make_async_copy(tab.at[sidx.at[k]], gbuf.at[b], sem)

    def outer(r, carry):
        @pl.when(r > 0)
        def _():
            pltpu.sync_copy(src.at[t, r], sidx)
            pltpu.sync_copy(dst.at[t, r], didx)

        _gather(0, 0, sga).start()

        def pair(i, carry2):
            k0 = 2 * i
            k1 = k0 + 1
            _gather(k1, 1, sgb).start()
            _gather(k0, 0, sga).wait()
            pltpu.sync_copy(gbuf.at[0], acc.at[didx.at[k0]], add=True)

            @pl.when(k0 + 2 < RB)
            def _():
                _gather(k0 + 2, 0, sga).start()

            _gather(k1, 1, sgb).wait()
            pltpu.sync_copy(gbuf.at[1], acc.at[didx.at[k1]], add=True)
            return carry2

        lax.fori_loop(0, RB // 2, pair, 0)
        return carry

    lax.fori_loop(0, nrb, outer, 0)


def _prologue(src, dst, t, sidx, didx, zrows, acc, s, sga, sgb):
    pltpu.make_async_copy(src.at[t, 0], sidx, sga).start()
    pltpu.make_async_copy(dst.at[t, 0], didx, sgb).start()
    pltpu.sync_copy(zrows, acc.at[pl.ds(s * ZROWS, ZROWS)])
    pltpu.make_async_copy(src.at[t, 0], sidx, sga).wait()
    pltpu.make_async_copy(dst.at[t, 0], didx, sgb).wait()
    plsc.subcore_barrier()


_SC_SCRATCH = [
    pltpu.VMEM((RB, K), jnp.int32),
    pltpu.VMEM((RB, K), jnp.int32),
    pltpu.VMEM((2, K, 128), jnp.float32),
    pltpu.VMEM_SHARED((NPAD, 128), jnp.float32),
    pltpu.SemaphoreType.DMA,
    pltpu.SemaphoreType.DMA,
]


@functools.partial(
    pl.kernel,
    mesh=_mesh,
    out_type=jax.ShapeDtypeStruct((2, NPAD, 128), jnp.float32),
    scratch_types=_SC_SCRATCH,
)
def _agg1(xr, src, dst, zrows, out, sidx, didx, gbuf, acc, sga, sgb):
    c = lax.axis_index("c")
    s = lax.axis_index("s")
    wid = s * 2 + c
    _prologue(src, dst, wid, sidx, didx, zrows, acc, s, sga, sgb)
    _edge_chunks(xr, src, dst, wid, sidx, didx, gbuf, acc, sga, sgb, NRB1)
    plsc.subcore_barrier()
    pltpu.sync_copy(acc.at[pl.ds(s * ZROWS, ZROWS)],
                    out.at[c, pl.ds(s * ZROWS, ZROWS)])


@functools.partial(
    pl.kernel,
    mesh=_mesh,
    out_type=jax.ShapeDtypeStruct((2, NPAD, 128), jnp.float32),
    scratch_types=_SC_SCRATCH,
)
def _agg2(tl, tr, src, dst, zrows, out, sidx, didx, gbuf, acc, sga, sgb):
    c = lax.axis_index("c")
    s = lax.axis_index("s")
    _prologue(src, dst, s, sidx, didx, zrows, acc, s, sga, sgb)

    @pl.when(c == 0)
    def _():
        _edge_chunks(tl, src, dst, s, sidx, didx, gbuf, acc, sga, sgb, NRB2)

    @pl.when(c == 1)
    def _():
        _edge_chunks(tr, src, dst, s, sidx, didx, gbuf, acc, sga, sgb, NRB2)

    plsc.subcore_barrier()
    pltpu.sync_copy(acc.at[pl.ds(s * ZROWS, ZROWS)],
                    out.at[c, pl.ds(s * ZROWS, ZROWS)])


def _relu_body(x_ref, o_ref):
    o_ref[...] = jnp.maximum(x_ref[...], 0.0)


def _mlp1_body(eps_ref, x_ref, p0_ref, p1_ref, wa_ref, ba_ref, wb_ref,
               bb_ref, ol_ref, or_ref):
    e = eps_ref[0, 0]
    t = (1.0 + e) * x_ref[...] + p0_ref[0] + p1_ref[0]
    a = jnp.maximum(
        jnp.dot(t, wa_ref[...], preferred_element_type=jnp.float32)
        + ba_ref[...], 0.0)
    h = jnp.maximum(
        jnp.dot(a, wb_ref[...], preferred_element_type=jnp.float32)
        + bb_ref[...], 0.0)
    ol_ref[...] = h[:, :128]
    or_ref[...] = h[:, 128:]


def _mlp2_body(eps_ref, hl_ref, hr_ref, a0_ref, a1_ref, b_ref, wa_ref,
               ba_ref, wb_ref, bb_ref, wm1_ref, bm1_ref, wm2_ref, bm2_ref,
               o_ref, pool_ref):
    i = pl.program_id(0)
    e = eps_ref[0, 0]
    h1 = jnp.concatenate([hl_ref[...], hr_ref[...]], axis=1)
    agg = jnp.concatenate([a0_ref[0], a1_ref[0]], axis=1)
    t = (1.0 + e) * h1 + agg
    a = jnp.maximum(
        jnp.dot(t, wa_ref[...], preferred_element_type=jnp.float32)
        + ba_ref[...], 0.0)
    h2 = jnp.dot(a, wb_ref[...], preferred_element_type=jnp.float32) + bb_ref[...]
    ids = b_ref[0, 0, :]
    oh = (lax.broadcasted_iota(jnp.int32, (64, MB), 0)
          == ids[None, :]).astype(jnp.float32)
    part = jnp.dot(oh, h2, preferred_element_type=jnp.float32)

    @pl.when(i == 0)
    def _():
        pool_ref[...] = part

    @pl.when(i > 0)
    def _():
        pool_ref[...] += part

    @pl.when(i == pl.num_programs(0) - 1)
    def _():
        q = jnp.maximum(
            jnp.dot(pool_ref[...], wm1_ref[...],
                    preferred_element_type=jnp.float32) + bm1_ref[...], 0.0)
        o_ref[...] = (jnp.dot(q, wm2_ref[...],
                              preferred_element_type=jnp.float32)
                      + bm2_ref[...])


def _full(shape):
    nd = len(shape)

    def im(i):
        return (0,) * nd

    return pl.BlockSpec(shape, im)


def kernel(x, edge_index, batch, eps1, W1a, b1a, W1b, b1b, eps2, W2a, b2a,
           W2b, b2b, Wm1, bm1, Wm2, bm2):
    src = edge_index[0].astype(jnp.int32)
    dst = edge_index[1].astype(jnp.int32)
    pad = EPAD - E
    ppos = jnp.arange(pad, dtype=jnp.int32)
    srcp = jnp.concatenate([src, (ppos * 37) % N])
    dstp = jnp.concatenate([dst, N + ppos % (NPAD - N)])
    src1 = srcp.reshape(32, NRB1, RB, K)
    dst1 = dstp.reshape(32, NRB1, RB, K)
    src2 = srcp.reshape(16, NRB2, RB, K)
    dst2 = dstp.reshape(16, NRB2, RB, K)
    zrows = jnp.zeros((ZROWS, 128), jnp.float32)
    batch3 = batch.astype(jnp.int32).reshape(2, 1, MB)
    e1 = jnp.reshape(eps1, (1, 1))
    e2 = jnp.reshape(eps2, (1, 1))
    b1a_ = b1a.reshape(1, 256)
    b1b_ = b1b.reshape(1, 256)
    b2a_ = b2a.reshape(1, 256)
    b2b_ = b2b.reshape(1, 256)
    bm1_ = bm1.reshape(1, 128)
    bm2_ = bm2.reshape(1, 2)

    xr = pl.pallas_call(
        _relu_body,
        grid=(2,),
        in_specs=[pl.BlockSpec((MB, 128), lambda i: (i, 0))],
        out_specs=pl.BlockSpec((MB, 128), lambda i: (i, 0)),
        out_shape=jax.ShapeDtypeStruct((N, 128), jnp.float32),
    )(x)

    p = _agg1(xr, src1, dst1, zrows)

    hl, hr = pl.pallas_call(
        _mlp1_body,
        grid=(2,),
        in_specs=[
            _full((1, 1)),
            pl.BlockSpec((MB, 128), lambda i: (i, 0)),
            pl.BlockSpec((1, MB, 128), lambda i: (0, i, 0)),
            pl.BlockSpec((1, MB, 128), lambda i: (1, i, 0)),
            _full((128, 256)),
            _full((1, 256)),
            _full((256, 256)),
            _full((1, 256)),
        ],
        out_specs=[
            pl.BlockSpec((MB, 128), lambda i: (i, 0)),
            pl.BlockSpec((MB, 128), lambda i: (i, 0)),
        ],
        out_shape=[
            jax.ShapeDtypeStruct((N, 128), jnp.float32),
            jax.ShapeDtypeStruct((N, 128), jnp.float32),
        ],
    )(e1, x, p, p, W1a, b1a_, W1b, b1b_)

    a2 = _agg2(hl, hr, src2, dst2, zrows)

    out = pl.pallas_call(
        _mlp2_body,
        grid=(2,),
        in_specs=[
            _full((1, 1)),
            pl.BlockSpec((MB, 128), lambda i: (i, 0)),
            pl.BlockSpec((MB, 128), lambda i: (i, 0)),
            pl.BlockSpec((1, MB, 128), lambda i: (0, i, 0)),
            pl.BlockSpec((1, MB, 128), lambda i: (1, i, 0)),
            pl.BlockSpec((1, 1, MB), lambda i: (i, 0, 0)),
            _full((256, 256)),
            _full((1, 256)),
            _full((256, 256)),
            _full((1, 256)),
            _full((256, 128)),
            _full((1, 128)),
            _full((128, 2)),
            _full((1, 2)),
        ],
        out_specs=pl.BlockSpec((64, 2), lambda i: (0, 0)),
        out_shape=jax.ShapeDtypeStruct((64, 2), jnp.float32),
        scratch_shapes=[pltpu.VMEM((64, 256), jnp.float32)],
    )(e2, hl, hr, a2, a2, batch3, W2a, b2a_, W2b, b2b_, Wm1, bm1_, Wm2, bm2_)

    return out

# --- scband reference (transcript-rebuilt; emitter-appended) ---
"""Pipeline reference for scband-gine-with-mlp-11768210391290 (READ-ONLY COPY).

The authoritative reference and input builder live on the scoring server;
editing this copy changes nothing except your own understanding.
"""

import jax, jax.numpy as jnp
import numpy as np

N_NODES = 10000
N_EDGES = 320000
D_IN = 128
D_HID = 256
D_OUT = 256
MLP_HID = 128
N_CLASSES = 2
N_GRAPHS = 64


def gine_conv(x, edge_index, eps, Wa, ba, Wb, bb):
    # GINE-style conv (no edge attrs): aggr_i = sum_{j->i} relu(x_j)
    # out = MLP((1+eps)*x + aggr), MLP = Linear -> ReLU -> Linear
    src = edge_index[0]
    dst = edge_index[1]
    m = jnp.maximum(x[src], 0.0)
    agg = jax.ops.segment_sum(m, dst, num_segments=x.shape[0])
    h = (1.0 + eps) * x + agg
    h = jnp.maximum(h @ Wa + ba, 0.0)
    return h @ Wb + bb


def setup_inputs(seed: int = 0) -> dict:
    key = jax.random.key(seed)
    ks = jax.random.split(key, 16)
    x = jax.random.normal(ks[0], (N_NODES, D_IN), dtype=jnp.float32)
    edge_index = jax.random.randint(ks[1], (2, N_EDGES), 0, N_NODES, dtype=jnp.int64 if jax.config.jax_enable_x64 else jnp.int32)
    batch = jnp.sort(jax.random.randint(ks[2], (N_NODES,), 0, N_GRAPHS, dtype=jnp.int64 if jax.config.jax_enable_x64 else jnp.int32))
    def lin(k, fan_in, fan_out):
        bound = 1.0 / np.sqrt(fan_in)
        kw, kb = jax.random.split(k)
        W = jax.random.uniform(kw, (fan_in, fan_out), minval=-bound, maxval=bound, dtype=jnp.float32)
        b = jax.random.uniform(kb, (fan_out,), minval=-bound, maxval=bound, dtype=jnp.float32)
        return W, b
    W1a, b1a = lin(ks[3], D_IN, D_HID)
    W1b, b1b = lin(ks[4], D_HID, D_HID)
    W2a, b2a = lin(ks[5], D_HID, D_OUT)
    W2b, b2b = lin(ks[6], D_OUT, D_OUT)
    Wm1, bm1 = lin(ks[7], D_OUT, MLP_HID)
    Wm2, bm2 = lin(ks[8], MLP_HID, N_CLASSES)
    eps1 = jnp.float32(0.0)
    eps2 = jnp.float32(0.0)
    return {
        'x': x, 'edge_index': edge_index, 'batch': batch,
        'eps1': eps1, 'W1a': W1a, 'b1a': b1a, 'W1b': W1b, 'b1b': b1b,
        'eps2': eps2, 'W2a': W2a, 'b2a': b2a, 'W2b': W2b, 'b2b': b2b,
        'Wm1': Wm1, 'bm1': bm1, 'Wm2': Wm2, 'bm2': bm2,
    }


def reference(x, edge_index, batch, eps1, W1a, b1a, W1b, b1b, eps2, W2a, b2a, W2b, b2b, Wm1, bm1, Wm2, bm2):
    h = gine_conv(x, edge_index, eps1, W1a, b1a, W1b, b1b)
    h = jnp.maximum(h, 0.0)
    h = gine_conv(h, edge_index, eps2, W2a, b2a, W2b, b2b)
    pooled = jax.ops.segment_sum(h, batch, num_segments=N_GRAPHS)
    out = jnp.maximum(pooled @ Wm1 + bm1, 0.0) @ Wm2 + bm2
    return out

if __name__ == "__main__":
    import jax
    _d = setup_inputs()
    print(jax.jit(kernel)(*tuple(_d.values())))

</pallas_src>

<mosaic_0001>
#map = affine_map<(d0, d1) -> (0, 0)>
#map1 = affine_map<(d0, d1) -> (0, 0, 0, 0)>
#map2 = affine_map<(d0, d1) -> (0, 0, 0)>
module attributes {stable_mosaic.version = 14 : i64} {
  func.func @_agg1(%arg0: i32, %arg1: i32, %arg2: memref<10000x128xf32, #tpu.memory_space<hbm>>, %arg3: memref<32x2x40x128xi32, #tpu.memory_space<hbm>>, %arg4: memref<32x2x40x128xi32, #tpu.memory_space<hbm>>, %arg5: memref<632x128xf32, #tpu.memory_space<hbm>>, %arg6: memref<2x10112x128xf32, #tpu.memory_space<hbm>>, %arg7: memref<40x128xi32, #tpu.memory_space<vmem>>, %arg8: memref<40x128xi32, #tpu.memory_space<vmem>>, %arg9: memref<2x128x128xf32, #tpu.memory_space<vmem>>, %arg10: memref<10112x128xf32, #tpu.memory_space<vmem_shared>>, %arg11: memref<!tpu.dma_semaphore, #tpu.memory_space<semaphore_mem>>, %arg12: memref<!tpu.dma_semaphore, #tpu.memory_space<semaphore_mem>>) attributes {dimension_semantics = [#tpu.dimension_semantics<core_parallel>, #tpu.dimension_semantics<subcore_parallel>], iteration_bounds = array<i64: 2, 16>, scalar_prefetch = 0 : i64, scratch_operands = 6 : i64, tpu.core_type = #tpu.core_type<sc_vector_subcore>, window_params = [{transform_indices = #map}, {transform_indices = #map1}, {transform_indices = #map1}, {transform_indices = #map}, {transform_indices = #map2}]} {
    %mul3A = arith.constant 2 : i32
    %mul3A_0 = arith.muli %arg1, %mul3A : i32
    %add3A = arith.addi %mul3A_0, %arg0 : i32
    %dma_start3A = arith.constant 0 : i32
    %dma_start3A_1 = arith.constant 0 : i32
    %dma_start3A_2 = arith.constant 0 : i32
    %dma_start3A_3 = tpu.memref_slice %arg3[%add3A, %dma_start3A, %dma_start3A_1, %dma_start3A_2] : memref<32x2x40x128xi32, #tpu.memory_space<hbm>> -> memref<1x1x40x128xi32, #tpu.memory_space<hbm>>
    %dma_start3A_4 = tpu.memref_squeeze %dma_start3A_3 : memref<1x1x40x128xi32, #tpu.memory_space<hbm>> -> memref<40x128xi32, #tpu.memory_space<hbm>>
    %dma_start3A_5 = arith.constant 0 : i32
    %dma_start3A_6 = arith.constant 0 : i32
    %dma_start3A_7 = tpu.memref_slice %arg3[%add3A, %dma_start3A, %dma_start3A_5, %dma_start3A_6] : memref<32x2x40x128xi32, #tpu.memory_space<hbm>> -> memref<1x1x40x128xi32, #tpu.memory_space<hbm>>
    %dma_start3A_8 = tpu.memref_squeeze %dma_start3A_7 : memref<1x1x40x128xi32, #tpu.memory_space<hbm>> -> memref<40x128xi32, #tpu.memory_space<hbm>>
    tpu.enqueue_dma source(%dma_start3A_8 : memref<40x128xi32, #tpu.memory_space<hbm>>) target(%arg7 : memref<40x128xi32, #tpu.memory_space<vmem>>) target_semaphore(%arg11 : memref<!tpu.dma_semaphore, #tpu.memory_space<semaphore_mem>>)
    %dma_start3A_9 = arith.constant 0 : i32
    %dma_start3A_10 = arith.constant 0 : i32
    %dma_start3A_11 = arith.constant 0 : i32
    %dma_start3A_12 = tpu.memref_slice %arg4[%add3A, %dma_start3A_9, %dma_start3A_10, %dma_start3A_11] : memref<32x2x40x128xi32, #tpu.memory_space<hbm>> -> memref<1x1x40x128xi32, #tpu.memory_space<hbm>>
    %dma_start3A_13 = tpu.memref_squeeze %dma_start3A_12 : memref<1x1x40x128xi32, #tpu.memory_space<hbm>> -> memref<40x128xi32, #tpu.memory_space<hbm>>
    %dma_start3A_14 = arith.constant 0 : i32
    %dma_start3A_15 = arith.constant 0 : i32
    %dma_start3A_16 = tpu.memref_slice %arg4[%add3A, %dma_start3A_9, %dma_start3A_14, %dma_start3A_15] : memref<32x2x40x128xi32, #tpu.memory_space<hbm>> -> memref<1x1x40x128xi32, #tpu.memory_space<hbm>>
    %dma_start3A_17 = tpu.memref_squeeze %dma_start3A_16 : memref<1x1x40x128xi32, #tpu.memory_space<hbm>> -> memref<40x128xi32, #tpu.memory_space<hbm>>
    tpu.enqueue_dma source(%dma_start3A_17 : memref<40x128xi32, #tpu.memory_space<hbm>>) target(%arg8 : memref<40x128xi32, #tpu.memory_space<vmem>>) target_semaphore(%arg12 : memref<!tpu.dma_semaphore, #tpu.memory_space<semaphore_mem>>)
    %mul3A_18 = arith.constant 632 : i32
    %mul3A_19 = arith.muli %arg1, %mul3A_18 : i32
    "tpu.region"() ({
      %run_scoped3A = tpu.sem_alloc : memref<!tpu.dma_semaphore, #tpu.memory_space<semaphore_mem>>
      %dma_start3A_47 = arith.constant 0 : i32
      %dma_start3A_48 = tpu.memref_slice %arg10[%mul3A_19, %dma_start3A_47] : memref<10112x128xf32, #tpu.memory_space<vmem_shared>> -> memref<632x128xf32, #tpu.memory_space<vmem_shared>>
      tpu.enqueue_dma source(%arg5 : memref<632x128xf32, #tpu.memory_space<hbm>>) target(%dma_start3A_48 : memref<632x128xf32, #tpu.memory_space<vmem_shared>>) target_semaphore(%run_scoped3A : memref<!tpu.dma_semaphore, #tpu.memory_space<semaphore_mem>>)
      %dma_wait3A_49 = arith.constant 0 : i32
      %dma_wait3A_50 = tpu.memref_slice %arg10[%mul3A_19, %dma_wait3A_49] : memref<10112x128xf32, #tpu.memory_space<vmem_shared>> -> memref<632x128xf32, #tpu.memory_space<vmem_shared>>
      tpu.wait_dma2 semaphore(%run_scoped3A : memref<!tpu.dma_semaphore, #tpu.memory_space<semaphore_mem>>) src(%arg5 : memref<632x128xf32, #tpu.memory_space<hbm>>) dst(%dma_wait3A_50 : memref<632x128xf32, #tpu.memory_space<vmem_shared>>)
      tpu.yield
    }) : () -> ()
    %dma_wait3A = arith.constant 0 : i32
    %dma_wait3A_20 = arith.constant 0 : i32
    %dma_wait3A_21 = arith.constant 0 : i32
    %dma_wait3A_22 = tpu.memref_slice %arg3[%add3A, %dma_wait3A, %dma_wait3A_20, %dma_wait3A_21] : memref<32x2x40x128xi32, #tpu.memory_space<hbm>> -> memref<1x1x40x128xi32, #tpu.memory_space<hbm>>
    %dma_wait3A_23 = tpu.memref_squeeze %dma_wait3A_22 : memref<1x1x40x128xi32, #tpu.memory_space<hbm>> -> memref<40x128xi32, #tpu.memory_space<hbm>>
    %dma_wait3A_24 = arith.constant 0 : i32
    %dma_wait3A_25 = arith.constant 0 : i32
    %dma_wait3A_26 = tpu.memref_slice %arg3[%add3A, %dma_wait3A, %dma_wait3A_24, %dma_wait3A_25] : memref<32x2x40x128xi32, #tpu.memory_space<hbm>> -> memref<1x1x40x128xi32, #tpu.memory_space<hbm>>
    %dma_wait3A_27 = tpu.memref_squeeze %dma_wait3A_26 : memref<1x1x40x128xi32, #tpu.memory_space<hbm>> -> memref<40x128xi32, #tpu.memory_space<hbm>>
    tpu.wait_dma2 semaphore(%arg11 : memref<!tpu.dma_semaphore, #tpu.memory_space<semaphore_mem>>) src(%dma_wait3A_27 : memref<40x128xi32, #tpu.memory_space<hbm>>) dst(%arg7 : memref<40x128xi32, #tpu.memory_space<vmem>>)
    %dma_wait3A_28 = arith.constant 0 : i32
    %dma_wait3A_29 = arith.constant 0 : i32
    %dma_wait3A_30 = arith.constant 0 : i32
    %dma_wait3A_31 = tpu.memref_slice %arg4[%add3A, %dma_wait3A_28, %dma_wait3A_29, %dma_wait3A_30] : memref<32x2x40x128xi32, #tpu.memory_space<hbm>> -> memref<1x1x40x128xi32, #tpu.memory_space<hbm>>
    %dma_wait3A_32 = tpu.memref_squeeze %dma_wait3A_31 : memref<1x1x40x128xi32, #tpu.memory_space<hbm>> -> memref<40x128xi32, #tpu.memory_space<hbm>>
    %dma_wait3A_33 = arith.constant 0 : i32
    %dma_wait3A_34 = arith.constant 0 : i32
    %dma_wait3A_35 = tpu.memref_slice %arg4[%add3A, %dma_wait3A_28, %dma_wait3A_33, %dma_wait3A_34] : memref<32x2x40x128xi32, #tpu.memory_space<hbm>> -> memref<1x1x40x128xi32, #tpu.memory_space<hbm>>
    %dma_wait3A_36 = tpu.memref_squeeze %dma_wait3A_35 : memref<1x1x40x128xi32, #tpu.memory_space<hbm>> -> memref<40x128xi32, #tpu.memory_space<hbm>>
    tpu.wait_dma2 semaphore(%arg12 : memref<!tpu.dma_semaphore, #tpu.memory_space<semaphore_mem>>) src(%dma_wait3A_36 : memref<40x128xi32, #tpu.memory_space<hbm>>) dst(%arg8 : memref<40x128xi32, #tpu.memory_space<vmem>>)
    %barrier3A = arith.constant 0 : index
    tpu.barrier barrier_id(%barrier3A)
    %scan3A = arith.constant 0 : i32
    %scan3A_37 = arith.constant 0 : i32
    %scan3A_38 = arith.constant 2 : i32
    %scan3A_39 = arith.addi %scan3A_37, %scan3A_38 : i32
    %scan3A_40 = arith.constant 1 : i32
    scf.for %scan3A_47 = %scan3A_37 to %scan3A_39 step %scan3A_40  : i32 {
      %gt3A = arith.constant 0 : i32
      %gt3A_48 = arith.cmpi sgt, %scan3A_47, %gt3A : i32
      %convert_element_type3A = arith.extui %gt3A_48 : i1 to i32
      %cond3A = arith.constant 0 : i32
      %cond3A_49 = arith.cmpi ne, %convert_element_type3A, %cond3A : i32
      scf.if %cond3A_49 {
        "tpu.region"() ({
          %run_scoped3A = tpu.sem_alloc : memref<!tpu.dma_semaphore, #tpu.memory_space<semaphore_mem>>
          %dma_start3A_68 = arith.constant 0 : i32
          %dma_start3A_69 = arith.constant 0 : i32
          %dma_start3A_70 = tpu.memref_slice %arg3[%add3A, %scan3A_47, %dma_start3A_68, %dma_start3A_69] : memref<32x2x40x128xi32, #tpu.memory_space<hbm>> -> memref<1x1x40x128xi32, #tpu.memory_space<hbm>>
          %dma_start3A_71 = tpu.memref_squeeze %dma_start3A_70 : memref<1x1x40x128xi32, #tpu.memory_space<hbm>> -> memref<40x128xi32, #tpu.memory_space<hbm>>
          %dma_start3A_72 = arith.constant 0 : i32
          %dma_start3A_73 = arith.constant 0 : i32
          %dma_start3A_74 = tpu.memref_slice %arg3[%add3A, %scan3A_47, %dma_start3A_72, %dma_start3A_73] : memref<32x2x40x128xi32, #tpu.memory_space<hbm>> -> memref<1x1x40x128xi32, #tpu.memory_space<hbm>>
          %dma_start3A_75 = tpu.memref_squeeze %dma_start3A_74 : memref<1x1x40x128xi32, #tpu.memory_space<hbm>> -> memref<40x128xi32, #tpu.memory_space<hbm>>
          tpu.enqueue_dma source(%dma_start3A_75 : memref<40x128xi32, #tpu.memory_space<hbm>>) target(%arg7 : memref<40x128xi32, #tpu.memory_space<vmem>>) target_semaphore(%run_scoped3A : memref<!tpu.dma_semaphore, #tpu.memory_space<semaphore_mem>>)
          %dma_wait3A_76 = arith.constant 0 : i32
          %dma_wait3A_77 = arith.constant 0 : i32
          %dma_wait3A_78 = tpu.memref_slice %arg3[%add3A, %scan3A_47, %dma_wait3A_76, %dma_wait3A_77] : memref<32x2x40x128xi32, #tpu.memory_space<hbm>> -> memref<1x1x40x128xi32, #tpu.memory_space<hbm>>
          %dma_wait3A_79 = tpu.memref_squeeze %dma_wait3A_78 : memref<1x1x40x128xi32, #tpu.memory_space<hbm>> -> memref<40x128xi32, #tpu.memory_space<hbm>>
          %dma_wait3A_80 = arith.constant 0 : i32
          %dma_wait3A_81 = arith.constant 0 : i32
          %dma_wait3A_82 = tpu.memref_slice %arg3[%add3A, %scan3A_47, %dma_wait3A_80, %dma_wait3A_81] : memref<32x2x40x128xi32, #tpu.memory_space<hbm>> -> memref<1x1x40x128xi32, #tpu.memory_space<hbm>>
          %dma_wait3A_83 = tpu.memref_squeeze %dma_wait3A_82 : memref<1x1x40x128xi32, #tpu.memory_space<hbm>> -> memref<40x128xi32, #tpu.memory_space<hbm>>
          tpu.wait_dma2 semaphore(%run_scoped3A : memref<!tpu.dma_semaphore, #tpu.memory_space<semaphore_mem>>) src(%dma_wait3A_83 : memref<40x128xi32, #tpu.memory_space<hbm>>) dst(%arg7 : memref<40x128xi32, #tpu.memory_space<vmem>>)
          tpu.yield
        }) : () -> ()
        "tpu.region"() ({
          %run_scoped3A = tpu.sem_alloc : memref<!tpu.dma_semaphore, #tpu.memory_space<semaphore_mem>>
          %dma_start3A_68 = arith.constant 0 : i32
          %dma_start3A_69 = arith.constant 0 : i32
          %dma_start3A_70 = tpu.memref_slice %arg4[%add3A, %scan3A_47, %dma_start3A_68, %dma_start3A_69] : memref<32x2x40x128xi32, #tpu.memory_space<hbm>> -> memref<1x1x40x128xi32, #tpu.memory_space<hbm>>
          %dma_start3A_71 = tpu.memref_squeeze %dma_start3A_70 : memref<1x1x40x128xi32, #tpu.memory_space<hbm>> -> memref<40x128xi32, #tpu.memory_space<hbm>>
          %dma_start3A_72 = arith.constant 0 : i32
          %dma_start3A_73 = arith.constant 0 : i32
          %dma_start3A_74 = tpu.memref_slice %arg4[%add3A, %scan3A_47, %dma_start3A_72, %dma_start3A_73] : memref<32x2x40x128xi32, #tpu.memory_space<hbm>> -> memref<1x1x40x128xi32, #tpu.memory_space<hbm>>
          %dma_start3A_75 = tpu.memref_squeeze %dma_start3A_74 : memref<1x1x40x128xi32, #tpu.memory_space<hbm>> -> memref<40x128xi32, #tpu.memory_space<hbm>>
          tpu.enqueue_dma source(%dma_start3A_75 : memref<40x128xi32, #tpu.memory_space<hbm>>) target(%arg8 : memref<40x128xi32, #tpu.memory_space<vmem>>) target_semaphore(%run_scoped3A : memref<!tpu.dma_semaphore, #tpu.memory_space<semaphore_mem>>)
          %dma_wait3A_76 = arith.constant 0 : i32
          %dma_wait3A_77 = arith.constant 0 : i32
          %dma_wait3A_78 = tpu.memref_slice %arg4[%add3A, %scan3A_47, %dma_wait3A_76, %dma_wait3A_77] : memref<32x2x40x128xi32, #tpu.memory_space<hbm>> -> memref<1x1x40x128xi32, #tpu.memory_space<hbm>>
          %dma_wait3A_79 = tpu.memref_squeeze %dma_wait3A_78 : memref<1x1x40x128xi32, #tpu.memory_space<hbm>> -> memref<40x128xi32, #tpu.memory_space<hbm>>
          %dma_wait3A_80 = arith.constant 0 : i32
          %dma_wait3A_81 = arith.constant 0 : i32
          %dma_wait3A_82 = tpu.memref_slice %arg4[%add3A, %scan3A_47, %dma_wait3A_80, %dma_wait3A_81] : memref<32x2x40x128xi32, #tpu.memory_space<hbm>> -> memref<1x1x40x128xi32, #tpu.memory_space<hbm>>
          %dma_wait3A_83 = tpu.memref_squeeze %dma_wait3A_82 : memref<1x1x40x128xi32, #tpu.memory_space<hbm>> -> memref<40x128xi32, #tpu.memory_space<hbm>>
          tpu.wait_dma2 semaphore(%run_scoped3A : memref<!tpu.dma_semaphore, #tpu.memory_space<semaphore_mem>>) src(%dma_wait3A_83 : memref<40x128xi32, #tpu.memory_space<hbm>>) dst(%arg8 : memref<40x128xi32, #tpu.memory_space<vmem>>)
          tpu.yield
        }) : () -> ()
      } else {
      }
      %dma_start3A_50 = arith.constant 0 : i32
      %dma_start3A_51 = arith.constant 0 : i32
      %dma_start3A_52 = arith.constant 0 : i32
      %dma_start3A_53 = arith.constant 0 : i32
      %dma_start3A_54 = tpu.memref_slice %arg9[%dma_start3A_51, %dma_start3A_52, %dma_start3A_53] : memref<2x128x128xf32, #tpu.memory_space<vmem>> -> memref<1x128x128xf32, #tpu.memory_space<vmem>>
      %dma_start3A_55 = tpu.memref_squeeze %dma_start3A_54 : memref<1x128x128xf32, #tpu.memory_space<vmem>> -> memref<128x128xf32, #tpu.memory_space<vmem>>
      %dma_start3A_56 = arith.constant 0 : i32
      %dma_start3A_57 = tpu.memref_slice %arg7[%dma_start3A_50, %dma_start3A_56] : memref<40x128xi32, #tpu.memory_space<vmem>> -> memref<1x128xi32, #tpu.memory_space<vmem>>
      %dma_start3A_58 = tpu.memref_squeeze %dma_start3A_57 : memref<1x128xi32, #tpu.memory_space<vmem>> -> memref<128xi32, #tpu.memory_space<vmem>>
      %dma_start3A_59 = arith.constant 0 : i32
      %dma_start3A_60 = arith.constant 0 : i32
      %dma_start3A_61 = tpu.memref_slice %arg2[%dma_start3A_59, %dma_start3A_60] : memref<10000x128xf32, #tpu.memory_space<hbm>> -> memref<10000x128xf32, #tpu.memory_space<hbm>>
      tpu.enqueue_indirect_dma source(%dma_start3A_61 : memref<10000x128xf32, #tpu.memory_space<hbm>>) target(%dma_start3A_55 : memref<128x128xf32, #tpu.memory_space<vmem>>) offsets(%dma_start3A_58 : memref<128xi32, #tpu.memory_space<vmem>>) semaphore(%arg11 : memref<!tpu.dma_semaphore, #tpu.memory_space<semaphore_mem>>)
      %scan3A_62 = arith.constant 0 : i32
      %scan3A_63 = arith.constant 0 : i32
      %scan3A_64 = arith.constant 20 : i32
      %scan3A_65 = arith.addi %scan3A_63, %scan3A_64 : i32
      %scan3A_66 = arith.constant 1 : i32
      scf.for %scan3A_68 = %scan3A_63 to %scan3A_65 step %scan3A_66  : i32 {
        %mul3A_69 = arith.constant 2 : i32
        %mul3A_70 = arith.muli %mul3A_69, %scan3A_68 : i32
        %add3A_71 = arith.constant 1 : i32
        %add3A_72 = arith.addi %mul3A_70, %add3A_71 : i32
        %dma_start3A_73 = arith.constant 1 : i32
        %dma_start3A_74 = arith.constant 0 : i32
        %dma_start3A_75 = arith.constant 0 : i32
        %dma_start3A_76 = tpu.memref_slice %arg9[%dma_start3A_73, %dma_start3A_74, %dma_start3A_75] : memref<2x128x128xf32, #tpu.memory_space<vmem>> -> memref<1x128x128xf32, #tpu.memory_space<vmem>>
        %dma_start3A_77 = tpu.memref_squeeze %dma_start3A_76 : memref<1x128x128xf32, #tpu.memory_space<vmem>> -> memref<128x128xf32, #tpu.memory_space<vmem>>
        %dma_start3A_78 = arith.constant 0 : i32
        %dma_start3A_79 = tpu.memref_slice %arg7[%add3A_72, %dma_start3A_78] : memref<40x128xi32, #tpu.memory_space<vmem>> -> memref<1x128xi32, #tpu.memory_space<vmem>>
        %dma_start3A_80 = tpu.memref_squeeze %dma_start3A_79 : memref<1x128xi32, #tpu.memory_space<vmem>> -> memref<128xi32, #tpu.memory_space<vmem>>
        %dma_start3A_81 = arith.constant 0 : i32
        %dma_start3A_82 = arith.constant 0 : i32
        %dma_start3A_83 = tpu.memref_slice %arg2[%dma_start3A_81, %dma_start3A_82] : memref<10000x128xf32, #tpu.memory_space<hbm>> -> memref<10000x128xf32, #tpu.memory_space<hbm>>
        tpu.enqueue_indirect_dma source(%dma_start3A_83 : memref<10000x128xf32, #tpu.memory_space<hbm>>) target(%dma_start3A_77 : memref<128x128xf32, #tpu.memory_space<vmem>>) offsets(%dma_start3A_80 : memref<128xi32, #tpu.memory_space<vmem>>) semaphore(%arg12 : memref<!tpu.dma_semaphore, #tpu.memory_space<semaphore_mem>>)
        %dma_wait3A_84 = arith.constant 0 : i32
        %dma_wait3A_85 = arith.constant 0 : i32
        %dma_wait3A_86 = arith.constant 0 : i32
        %dma_wait3A_87 = tpu.memref_slice %arg9[%dma_wait3A_84, %dma_wait3A_85, %dma_wait3A_86] : memref<2x128x128xf32, #tpu.memory_space<vmem>> -> memref<1x128x128xf32, #tpu.memory_space<vmem>>
        %dma_wait3A_88 = tpu.memref_squeeze %dma_wait3A_87 : memref<1x128x128xf32, #tpu.memory_space<vmem>> -> memref<128x128xf32, #tpu.memory_space<vmem>>
        %dma_wait3A_89 = arith.constant 0 : i32
        %dma_wait3A_90 = tpu.memref_slice %arg7[%mul3A_70, %dma_wait3A_89] : memref<40x128xi32, #tpu.memory_space<vmem>> -> memref<1x128xi32, #tpu.memory_space<vmem>>
        %dma_wait3A_91 = tpu.memref_squeeze %dma_wait3A_90 : memref<1x128xi32, #tpu.memory_space<vmem>> -> memref<128xi32, #tpu.memory_space<vmem>>
        %dma_wait3A_92 = arith.constant 0 : i32
        %dma_wait3A_93 = arith.constant 0 : i32
        %dma_wait3A_94 = tpu.memref_slice %arg2[%dma_wait3A_92, %dma_wait3A_93] : memref<10000x128xf32, #tpu.memory_space<hbm>> -> memref<10000x128xf32, #tpu.memory_space<hbm>>
        tpu.wait_indirect_dma semaphore(%arg11 : memref<!tpu.dma_semaphore, #tpu.memory_space<semaphore_mem>>) src(%dma_wait3A_94 : memref<10000x128xf32, #tpu.memory_space<hbm>>) dst(%dma_wait3A_88 : memref<128x128xf32, #tpu.memory_space<vmem>>)
        %run_scoped3A = arith.constant 0 : i32
        "tpu.region"() ({
          %run_scoped3A_113 = tpu.sem_alloc : memref<!tpu.dma_semaphore, #tpu.memory_space<semaphore_mem>>
          %dma_start3A_114 = arith.constant 0 : i32
          %dma_start3A_115 = arith.constant 0 : i32
          %dma_start3A_116 = tpu.memref_slice %arg9[%run_scoped3A, %dma_start3A_114, %dma_start3A_115] : memref<2x128x128xf32, #tpu.memory_space<vmem>> -> memref<1x128x128xf32, #tpu.memory_space<vmem>>
          %dma_start3A_117 = tpu.memref_squeeze %dma_start3A_116 : memref<1x128x128xf32, #tpu.memory_space<vmem>> -> memref<128x128xf32, #tpu.memory_space<vmem>>
          %dma_start3A_118 = arith.constant 0 : i32
          %dma_start3A_119 = tpu.memref_slice %arg8[%mul3A_70, %dma_start3A_118] : memref<40x128xi32, #tpu.memory_space<vmem>> -> memref<1x128xi32, #tpu.memory_space<vmem>>
          %dma_start3A_120 = tpu.memref_squeeze %dma_start3A_119 : memref<1x128xi32, #tpu.memory_space<vmem>> -> memref<128xi32, #tpu.memory_space<vmem>>
          %dma_start3A_121 = arith.constant 0 : i32
          %dma_start3A_122 = arith.constant 0 : i32
          %dma_start3A_123 = tpu.memref_slice %arg10[%dma_start3A_121, %dma_start3A_122] : memref<10112x128xf32, #tpu.memory_space<vmem_shared>> -> memref<10112x128xf32, #tpu.memory_space<vmem_shared>>
          tpu.enqueue_indirect_dma source(%dma_start3A_117 : memref<128x128xf32, #tpu.memory_space<vmem>>) target(%dma_start3A_123 : memref<10112x128xf32, #tpu.memory_space<vmem_shared>>) offsets(%dma_start3A_120 : memref<128xi32, #tpu.memory_space<vmem>>) semaphore(%run_scoped3A_113 : memref<!tpu.dma_semaphore, #tpu.memory_space<semaphore_mem>>) {add = true}
          %dma_wait3A_124 = arith.constant 0 : i32
          %dma_wait3A_125 = arith.constant 0 : i32
          %dma_wait3A_126 = tpu.memref_slice %arg9[%run_scoped3A, %dma_wait3A_124, %dma_wait3A_125] : memref<2x128x128xf32, #tpu.memory_space<vmem>> -> memref<1x128x128xf32, #tpu.memory_space<vmem>>
          %dma_wait3A_127 = tpu.memref_squeeze %dma_wait3A_126 : memref<1x128x128xf32, #tpu.memory_space<vmem>> -> memref<128x128xf32, #tpu.memory_space<vmem>>
          %dma_wait3A_128 = arith.constant 0 : i32
          %dma_wait3A_129 = tpu.memref_slice %arg8[%mul3A_70, %dma_wait3A_128] : memref<40x128xi32, #tpu.memory_space<vmem>> -> memref<1x128xi32, #tpu.memory_space<vmem>>
          %dma_wait3A_130 = tpu.memref_squeeze %dma_wait3A_129 : memref<1x128xi32, #tpu.memory_space<vmem>> -> memref<128xi32, #tpu.memory_space<vmem>>
          %dma_wait3A_131 = arith.constant 0 : i32
          %dma_wait3A_132 = arith.constant 0 : i32
          %dma_wait3A_133 = tpu.memref_slice %arg10[%dma_wait3A_131, %dma_wait3A_132] : memref<10112x128xf32, #tpu.memory_space<vmem_shared>> -> memref<10112x128xf32, #tpu.memory_space<vmem_shared>>
          tpu.wait_indirect_dma semaphore(%run_scoped3A_113 : memref<!tpu.dma_semaphore, #tpu.memory_space<semaphore_mem>>) src(%dma_wait3A_127 : memref<128x128xf32, #tpu.memory_space<vmem>>) dst(%dma_wait3A_133 : memref<10112x128xf32, #tpu.memory_space<vmem_shared>>)
          tpu.yield
        }) : () -> ()
        %add3A_95 = arith.constant 2 : i32
        %add3A_96 = arith.addi %mul3A_70, %add3A_95 : i32
        %lt3A = arith.constant 40 : i32
        %lt3A_97 = arith.cmpi slt, %add3A_96, %lt3A : i32
        %convert_element_type3A_98 = arith.extui %lt3A_97 : i1 to i32
        %cond3A_99 = arith.constant 0 : i32
        %cond3A_100 = arith.cmpi ne, %convert_element_type3A_98, %cond3A_99 : i32
        scf.if %cond3A_100 {
          %add3A_113 = arith.constant 2 : i32
          %add3A_114 = arith.addi %mul3A_70, %add3A_113 : i32
          %dma_start3A_115 = arith.constant 0 : i32
          %dma_start3A_116 = arith.constant 0 : i32
          %dma_start3A_117 = arith.constant 0 : i32
          %dma_start3A_118 = tpu.memref_slice %arg9[%dma_start3A_115, %dma_start3A_116, %dma_start3A_117] : memref<2x128x128xf32, #tpu.memory_space<vmem>> -> memref<1x128x128xf32, #tpu.memory_space<vmem>>
          %dma_start3A_119 = tpu.memref_squeeze %dma_start3A_118 : memref<1x128x128xf32, #tpu.memory_space<vmem>> -> memref<128x128xf32, #tpu.memory_space<vmem>>
          %dma_start3A_120 = arith.constant 0 : i32
          %dma_start3A_121 = tpu.memref_slice %arg7[%add3A_114, %dma_start3A_120] : memref<40x128xi32, #tpu.memory_space<vmem>> -> memref<1x128xi32, #tpu.memory_space<vmem>>
          %dma_start3A_122 = tpu.memref_squeeze %dma_start3A_121 : memref<1x128xi32, #tpu.memory_space<vmem>> -> memref<128xi32, #tpu.memory_space<vmem>>
          %dma_start3A_123 = arith.constant 0 : i32
          %dma_start3A_124 = arith.constant 0 : i32
          %dma_start3A_125 = tpu.memref_slice %arg2[%dma_start3A_123, %dma_start3A_124] : memref<10000x128xf32, #tpu.memory_space<hbm>> -> memref<10000x128xf32, #tpu.memory_space<hbm>>
          tpu.enqueue_indirect_dma source(%dma_start3A_125 : memref<10000x128xf32, #tpu.memory_space<hbm>>) target(%dma_start3A_119 : memref<128x128xf32, #tpu.memory_space<vmem>>) offsets(%dma_start3A_122 : memref<128xi32, #tpu.memory_space<vmem>>) semaphore(%arg11 : memref<!tpu.dma_semaphore, #tpu.memory_space<semaphore_mem>>)
        } else {
        }
        %dma_wait3A_101 = arith.constant 1 : i32
        %dma_wait3A_102 = arith.constant 0 : i32
        %dma_wait3A_103 = arith.constant 0 : i32
        %dma_wait3A_104 = tpu.memref_slice %arg9[%dma_wait3A_101, %dma_wait3A_102, %dma_wait3A_103] : memref<2x128x128xf32, #tpu.memory_space<vmem>> -> memref<1x128x128xf32, #tpu.memory_space<vmem>>
        %dma_wait3A_105 = tpu.memref_squeeze %dma_wait3A_104 : memref<1x128x128xf32, #tpu.memory_space<vmem>> -> memref<128x128xf32, #tpu.memory_space<vmem>>
        %dma_wait3A_106 = arith.constant 0 : i32
        %dma_wait3A_107 = tpu.memref_slice %arg7[%add3A_72, %dma_wait3A_106] : memref<40x128xi32, #tpu.memory_space<vmem>> -> memref<1x128xi32, #tpu.memory_space<vmem>>
        %dma_wait3A_108 = tpu.memref_squeeze %dma_wait3A_107 : memref<1x128xi32, #tpu.memory_space<vmem>> -> memref<128xi32, #tpu.memory_space<vmem>>
        %dma_wait3A_109 = arith.constant 0 : i32
        %dma_wait3A_110 = arith.constant 0 : i32
        %dma_wait3A_111 = tpu.memref_slice %arg2[%dma_wait3A_109, %dma_wait3A_110] : memref<10000x128xf32, #tpu.memory_space<hbm>> -> memref<10000x128xf32, #tpu.memory_space<hbm>>
        tpu.wait_indirect_dma semaphore(%arg12 : memref<!tpu.dma_semaphore, #tpu.memory_space<semaphore_mem>>) src(%dma_wait3A_111 : memref<10000x128xf32, #tpu.memory_space<hbm>>) dst(%dma_wait3A_105 : memref<128x128xf32, #tpu.memory_space<vmem>>)
        %run_scoped3A_112 = arith.constant 1 : i32
        "tpu.region"() ({
          %run_scoped3A_113 = tpu.sem_alloc : memref<!tpu.dma_semaphore, #tpu.memory_space<semaphore_mem>>
          %dma_start3A_114 = arith.constant 0 : i32
          %dma_start3A_115 = arith.constant 0 : i32
          %dma_start3A_116 = tpu.memref_slice %arg9[%run_scoped3A_112, %dma_start3A_114, %dma_start3A_115] : memref<2x128x128xf32, #tpu.memory_space<vmem>> -> memref<1x128x128xf32, #tpu.memory_space<vmem>>
          %dma_start3A_117 = tpu.memref_squeeze %dma_start3A_116 : memref<1x128x128xf32, #tpu.memory_space<vmem>> -> memref<128x128xf32, #tpu.memory_space<vmem>>
          %dma_start3A_118 = arith.constant 0 : i32
          %dma_start3A_119 = tpu.memref_slice %arg8[%add3A_72, %dma_start3A_118] : memref<40x128xi32, #tpu.memory_space<vmem>> -> memref<1x128xi32, #tpu.memory_space<vmem>>
          %dma_start3A_120 = tpu.memref_squeeze %dma_start3A_119 : memref<1x128xi32, #tpu.memory_space<vmem>> -> memref<128xi32, #tpu.memory_space<vmem>>
          %dma_start3A_121 = arith.constant 0 : i32
          %dma_start3A_122 = arith.constant 0 : i32
          %dma_start3A_123 = tpu.memref_slice %arg10[%dma_start3A_121, %dma_start3A_122] : memref<10112x128xf32, #tpu.memory_space<vmem_shared>> -> memref<10112x128xf32, #tpu.memory_space<vmem_shared>>
          tpu.enqueue_indirect_dma source(%dma_start3A_117 : memref<128x128xf32, #tpu.memory_space<vmem>>) target(%dma_start3A_123 : memref<10112x128xf32, #tpu.memory_space<vmem_shared>>) offsets(%dma_start3A_120 : memref<128xi32, #tpu.memory_space<vmem>>) semaphore(%run_scoped3A_113 : memref<!tpu.dma_semaphore, #tpu.memory_space<semaphore_mem>>) {add = true}
          %dma_wait3A_124 = arith.constant 0 : i32
          %dma_wait3A_125 = arith.constant 0 : i32
          %dma_wait3A_126 = tpu.memref_slice %arg9[%run_scoped3A_112, %dma_wait3A_124, %dma_wait3A_125] : memref<2x128x128xf32, #tpu.memory_space<vmem>> -> memref<1x128x128xf32, #tpu.memory_space<vmem>>
          %dma_wait3A_127 = tpu.memref_squeeze %dma_wait3A_126 : memref<1x128x128xf32, #tpu.memory_space<vmem>> -> memref<128x128xf32, #tpu.memory_space<vmem>>
          %dma_wait3A_128 = arith.constant 0 : i32
          %dma_wait3A_129 = tpu.memref_slice %arg8[%add3A_72, %dma_wait3A_128] : memref<40x128xi32, #tpu.memory_space<vmem>> -> memref<1x128xi32, #tpu.memory_space<vmem>>
          %dma_wait3A_130 = tpu.memref_squeeze %dma_wait3A_129 : memref<1x128xi32, #tpu.memory_space<vmem>> -> memref<128xi32, #tpu.memory_space<vmem>>
          %dma_wait3A_131 = arith.constant 0 : i32
          %dma_wait3A_132 = arith.constant 0 : i32
          %dma_wait3A_133 = tpu.memref_slice %arg10[%dma_wait3A_131, %dma_wait3A_132] : memref<10112x128xf32, #tpu.memory_space<vmem_shared>> -> memref<10112x128xf32, #tpu.memory_space<vmem_shared>>
          tpu.wait_indirect_dma semaphore(%run_scoped3A_113 : memref<!tpu.dma_semaphore, #tpu.memory_space<semaphore_mem>>) src(%dma_wait3A_127 : memref<128x128xf32, #tpu.memory_space<vmem>>) dst(%dma_wait3A_133 : memref<10112x128xf32, #tpu.memory_space<vmem_shared>>)
          tpu.yield
        }) : () -> ()
      }
      %scan3A_67 = arith.constant 20 : i32
    }
    %scan3A_41 = arith.constant 2 : i32
    %barrier3A_42 = arith.constant 0 : index
    tpu.barrier barrier_id(%barrier3A_42)
    %mul3A_43 = arith.constant 632 : i32
    %mul3A_44 = arith.muli %arg1, %mul3A_43 : i32
    %mul3A_45 = arith.constant 632 : i32
    %mul3A_46 = arith.muli %arg1, %mul3A_45 : i32
    "tpu.region"() ({
      %run_scoped3A = tpu.sem_alloc : memref<!tpu.dma_semaphore, #tpu.memory_space<semaphore_mem>>
      %dma_start3A_47 = arith.constant 0 : i32
      %dma_start3A_48 = tpu.memref_slice %arg6[%arg0, %mul3A_46, %dma_start3A_47] : memref<2x10112x128xf32, #tpu.memory_space<hbm>> -> memref<1x632x128xf32, #tpu.memory_space<hbm>>
      %dma_start3A_49 = tpu.memref_squeeze %dma_start3A_48 : memref<1x632x128xf32, #tpu.memory_space<hbm>> -> memref<632x128xf32, #tpu.memory_space<hbm>>
      %dma_start3A_50 = arith.constant 0 : i32
      %dma_start3A_51 = tpu.memref_slice %arg10[%mul3A_44, %dma_start3A_50] : memref<10112x128xf32, #tpu.memory_space<vmem_shared>> -> memref<632x128xf32, #tpu.memory_space<vmem_shared>>
      tpu.enqueue_dma source(%dma_start3A_51 : memref<632x128xf32, #tpu.memory_space<vmem_shared>>) target(%dma_start3A_49 : memref<632x128xf32, #tpu.memory_space<hbm>>) target_semaphore(%run_scoped3A : memref<!tpu.dma_semaphore, #tpu.memory_space<semaphore_mem>>)
      %dma_wait3A_52 = arith.constant 0 : i32
      %dma_wait3A_53 = tpu.memref_slice %arg6[%arg0, %mul3A_46, %dma_wait3A_52] : memref<2x10112x128xf32, #tpu.memory_space<hbm>> -> memref<1x632x128xf32, #tpu.memory_space<hbm>>
      %dma_wait3A_54 = tpu.memref_squeeze %dma_wait3A_53 : memref<1x632x128xf32, #tpu.memory_space<hbm>> -> memref<632x128xf32, #tpu.memory_space<hbm>>
      %dma_wait3A_55 = arith.constant 0 : i32
      %dma_wait3A_56 = tpu.memref_slice %arg10[%mul3A_44, %dma_wait3A_55] : memref<10112x128xf32, #tpu.memory_space<vmem_shared>> -> memref<632x128xf32, #tpu.memory_space<vmem_shared>>
      tpu.wait_dma2 semaphore(%run_scoped3A : memref<!tpu.dma_semaphore, #tpu.memory_space<semaphore_mem>>) src(%dma_wait3A_56 : memref<632x128xf32, #tpu.memory_space<vmem_shared>>) dst(%dma_wait3A_54 : memref<632x128xf32, #tpu.memory_space<hbm>>)
      tpu.yield
    }) : () -> ()
    return
  }
}

#map = affine_map<(d0, d1) -> (0, 0)>
#map1 = affine_map<(d0, d1) -> (0, 0, 0, 0)>
#map2 = affine_map<(d0, d1) -> (0, 0, 0)>
module attributes {stable_mosaic.version = 14 : i64} {
  func.func @_agg2(%arg0: i32, %arg1: i32, %arg2: memref<10000x128xf32, #tpu.memory_space<hbm>>, %arg3: memref<10000x128xf32, #tpu.memory_space<hbm>>, %arg4: memref<16x4x40x128xi32, #tpu.memory_space<hbm>>, %arg5: memref<16x4x40x128xi32, #tpu.memory_space<hbm>>, %arg6: memref<632x128xf32, #tpu.memory_space<hbm>>, %arg7: memref<2x10112x128xf32, #tpu.memory_space<hbm>>, %arg8: memref<40x128xi32, #tpu.memory_space<vmem>>, %arg9: memref<40x128xi32, #tpu.memory_space<vmem>>, %arg10: memref<2x128x128xf32, #tpu.memory_space<vmem>>, %arg11: memref<10112x128xf32, #tpu.memory_space<vmem_shared>>, %arg12: memref<!tpu.dma_semaphore, #tpu.memory_space<semaphore_mem>>, %arg13: memref<!tpu.dma_semaphore, #tpu.memory_space<semaphore_mem>>) attributes {dimension_semantics = [#tpu.dimension_semantics<core_parallel>, #tpu.dimension_semantics<subcore_parallel>], iteration_bounds = array<i64: 2, 16>, scalar_prefetch = 0 : i64, scratch_operands = 6 : i64, tpu.core_type = #tpu.core_type<sc_vector_subcore>, window_params = [{transform_indices = #map}, {transform_indices = #map}, {transform_indices = #map1}, {transform_indices = #map1}, {transform_indices = #map}, {transform_indices = #map2}]} {
    %dma_start3A = arith.constant 0 : i32
    %dma_start3A_0 = arith.constant 0 : i32
    %dma_start3A_1 = arith.constant 0 : i32
    %dma_start3A_2 = tpu.memref_slice %arg4[%arg1, %dma_start3A, %dma_start3A_0, %dma_start3A_1] : memref<16x4x40x128xi32, #tpu.memory_space<hbm>> -> memref<1x1x40x128xi32, #tpu.memory_space<hbm>>
    %dma_start3A_3 = tpu.memref_squeeze %dma_start3A_2 : memref<1x1x40x128xi32, #tpu.memory_space<hbm>> -> memref<40x128xi32, #tpu.memory_space<hbm>>
    %dma_start3A_4 = arith.constant 0 : i32
    %dma_start3A_5 = arith.constant 0 : i32
    %dma_start3A_6 = tpu.memref_slice %arg4[%arg1, %dma_start3A, %dma_start3A_4, %dma_start3A_5] : memref<16x4x40x128xi32, #tpu.memory_space<hbm>> -> memref<1x1x40x128xi32, #tpu.memory_space<hbm>>
    %dma_start3A_7 = tpu.memref_squeeze %dma_start3A_6 : memref<1x1x40x128xi32, #tpu.memory_space<hbm>> -> memref<40x128xi32, #tpu.memory_space<hbm>>
    tpu.enqueue_dma source(%dma_start3A_7 : memref<40x128xi32, #tpu.memory_space<hbm>>) target(%arg8 : memref<40x128xi32, #tpu.memory_space<vmem>>) target_semaphore(%arg12 : memref<!tpu.dma_semaphore, #tpu.memory_space<semaphore_mem>>)
    %dma_start3A_8 = arith.constant 0 : i32
    %dma_start3A_9 = arith.constant 0 : i32
    %dma_start3A_10 = arith.constant 0 : i32
    %dma_start3A_11 = tpu.memref_slice %arg5[%arg1, %dma_start3A_8, %dma_start3A_9, %dma_start3A_10] : memref<16x4x40x128xi32, #tpu.memory_space<hbm>> -> memref<1x1x40x128xi32, #tpu.memory_space<hbm>>
    %dma_start3A_12 = tpu.memref_squeeze %dma_start3A_11 : memref<1x1x40x128xi32, #tpu.memory_space<hbm>> -> memref<40x128xi32, #tpu.memory_space<hbm>>
    %dma_start3A_13 = arith.constant 0 : i32
    %dma_start3A_14 = arith.constant 0 : i32
    %dma_start3A_15 = tpu.memref_slice %arg5[%arg1, %dma_start3A_8, %dma_start3A_13, %dma_start3A_14] : memref<16x4x40x128xi32, #tpu.memory_space<hbm>> -> memref<1x1x40x128xi32, #tpu.memory_space<hbm>>
    %dma_start3A_16 = tpu.memref_squeeze %dma_start3A_15 : memref<1x1x40x128xi32, #tpu.memory_space<hbm>> -> memref<40x128xi32, #tpu.memory_space<hbm>>
    tpu.enqueue_dma source(%dma_start3A_16 : memref<40x128xi32, #tpu.memory_space<hbm>>) target(%arg9 : memref<40x128xi32, #tpu.memory_space<vmem>>) target_semaphore(%arg13 : memref<!tpu.dma_semaphore, #tpu.memory_space<semaphore_mem>>)
    %mul3A = arith.constant 632 : i32
    %mul3A_17 = arith.muli %arg1, %mul3A : i32
    "tpu.region"() ({
      %run_scoped3A = tpu.sem_alloc : memref<!tpu.dma_semaphore, #tpu.memory_space<semaphore_mem>>
      %dma_start3A_47 = arith.constant 0 : i32
      %dma_start3A_48 = tpu.memref_slice %arg11[%mul3A_17, %dma_start3A_47] : memref<10112x128xf32, #tpu.memory_space<vmem_shared>> -> memref<632x128xf32, #tpu.memory_space<vmem_shared>>
      tpu.enqueue_dma source(%arg6 : memref<632x128xf32, #tpu.memory_space<hbm>>) target(%dma_start3A_48 : memref<632x128xf32, #tpu.memory_space<vmem_shared>>) target_semaphore(%run_scoped3A : memref<!tpu.dma_semaphore, #tpu.memory_space<semaphore_mem>>)
      %dma_wait3A_49 = arith.constant 0 : i32
      %dma_wait3A_50 = tpu.memref_slice %arg11[%mul3A_17, %dma_wait3A_49] : memref<10112x128xf32, #tpu.memory_space<vmem_shared>> -> memref<632x128xf32, #tpu.memory_space<vmem_shared>>
      tpu.wait_dma2 semaphore(%run_scoped3A : memref<!tpu.dma_semaphore, #tpu.memory_space<semaphore_mem>>) src(%arg6 : memref<632x128xf32, #tpu.memory_space<hbm>>) dst(%dma_wait3A_50 : memref<632x128xf32, #tpu.memory_space<vmem_shared>>)
      tpu.yield
    }) : () -> ()
    %dma_wait3A = arith.constant 0 : i32
    %dma_wait3A_18 = arith.constant 0 : i32
    %dma_wait3A_19 = arith.constant 0 : i32
    %dma_wait3A_20 = tpu.memref_slice %arg4[%arg1, %dma_wait3A, %dma_wait3A_18, %dma_wait3A_19] : memref<16x4x40x128xi32, #tpu.memory_space<hbm>> -> memref<1x1x40x128xi32, #tpu.memory_space<hbm>>
    %dma_wait3A_21 = tpu.memref_squeeze %dma_wait3A_20 : memref<1x1x40x128xi32, #tpu.memory_space<hbm>> -> memref<40x128xi32, #tpu.memory_space<hbm>>
    %dma_wait3A_22 = arith.constant 0 : i32
    %dma_wait3A_23 = arith.constant 0 : i32
    %dma_wait3A_24 = tpu.memref_slice %arg4[%arg1, %dma_wait3A, %dma_wait3A_22, %dma_wait3A_23] : memref<16x4x40x128xi32, #tpu.memory_space<hbm>> -> memref<1x1x40x128xi32, #tpu.memory_space<hbm>>
    %dma_wait3A_25 = tpu.memref_squeeze %dma_wait3A_24 : memref<1x1x40x128xi32, #tpu.memory_space<hbm>> -> memref<40x128xi32, #tpu.memory_space<hbm>>
    tpu.wait_dma2 semaphore(%arg12 : memref<!tpu.dma_semaphore, #tpu.memory_space<semaphore_mem>>) src(%dma_wait3A_25 : memref<40x128xi32, #tpu.memory_space<hbm>>) dst(%arg8 : memref<40x128xi32, #tpu.memory_space<vmem>>)
    %dma_wait3A_26 = arith.constant 0 : i32
    %dma_wait3A_27 = arith.constant 0 : i32
    %dma_wait3A_28 = arith.constant 0 : i32
    %dma_wait3A_29 = tpu.memref_slice %arg5[%arg1, %dma_wait3A_26, %dma_wait3A_27, %dma_wait3A_28] : memref<16x4x40x128xi32, #tpu.memory_space<hbm>> -> memref<1x1x40x128xi32, #tpu.memory_space<hbm>>
    %dma_wait3A_30 = tpu.memref_squeeze %dma_wait3A_29 : memref<1x1x40x128xi32, #tpu.memory_space<hbm>> -> memref<40x128xi32, #tpu.memory_space<hbm>>
    %dma_wait3A_31 = arith.constant 0 : i32
    %dma_wait3A_32 = arith.constant 0 : i32
    %dma_wait3A_33 = tpu.memref_slice %arg5[%arg1, %dma_wait3A_26, %dma_wait3A_31, %dma_wait3A_32] : memref<16x4x40x128xi32, #tpu.memory_space<hbm>> -> memref<1x1x40x128xi32, #tpu.memory_space<hbm>>
    %dma_wait3A_34 = tpu.memref_squeeze %dma_wait3A_33 : memref<1x1x40x128xi32, #tpu.memory_space<hbm>> -> memref<40x128xi32, #tpu.memory_space<hbm>>
    tpu.wait_dma2 semaphore(%arg13 : memref<!tpu.dma_semaphore, #tpu.memory_space<semaphore_mem>>) src(%dma_wait3A_34 : memref<40x128xi32, #tpu.memory_space<hbm>>) dst(%arg9 : memref<40x128xi32, #tpu.memory_space<vmem>>)
    %barrier3A = arith.constant 0 : index
    tpu.barrier barrier_id(%barrier3A)
    %eq3A = arith.constant 0 : i32
    %eq3A_35 = arith.cmpi eq, %arg0, %eq3A : i32
    %convert_element_type3A = arith.extui %eq3A_35 : i1 to i32
    %cond3A = arith.constant 0 : i32
    %cond3A_36 = arith.cmpi ne, %convert_element_type3A, %cond3A : i32
    scf.if %cond3A_36 {
      %scan3A = arith.constant 0 : i32
      %scan3A_47 = arith.constant 0 : i32
      %scan3A_48 = arith.constant 4 : i32
      %scan3A_49 = arith.addi %scan3A_47, %scan3A_48 : i32
      %scan3A_50 = arith.constant 1 : i32
      scf.for %scan3A_52 = %scan3A_47 to %scan3A_49 step %scan3A_50  : i32 {
        %gt3A = arith.constant 0 : i32
        %gt3A_53 = arith.cmpi sgt, %scan3A_52, %gt3A : i32
        %convert_element_type3A_54 = arith.extui %gt3A_53 : i1 to i32
        %cond3A_55 = arith.constant 0 : i32
        %cond3A_56 = arith.cmpi ne, %convert_element_type3A_54, %cond3A_55 : i32
        scf.if %cond3A_56 {
          "tpu.region"() ({
            %run_scoped3A = tpu.sem_alloc : memref<!tpu.dma_semaphore, #tpu.memory_space<semaphore_mem>>
            %dma_start3A_75 = arith.constant 0 : i32
            %dma_start3A_76 = arith.constant 0 : i32
            %dma_start3A_77 = tpu.memref_slice %arg4[%arg1, %scan3A_52, %dma_start3A_75, %dma_start3A_76] : memref<16x4x40x128xi32, #tpu.memory_space<hbm>> -> memref<1x1x40x128xi32, #tpu.memory_space<hbm>>
            %dma_start3A_78 = tpu.memref_squeeze %dma_start3A_77 : memref<1x1x40x128xi32, #tpu.memory_space<hbm>> -> memref<40x128xi32, #tpu.memory_space<hbm>>
            %dma_start3A_79 = arith.constant 0 : i32
            %dma_start3A_80 = arith.constant 0 : i32
            %dma_start3A_81 = tpu.memref_slice %arg4[%arg1, %scan3A_52, %dma_start3A_79, %dma_start3A_80] : memref<16x4x40x128xi32, #tpu.memory_space<hbm>> -> memref<1x1x40x128xi32, #tpu.memory_space<hbm>>
            %dma_start3A_82 = tpu.memref_squeeze %dma_start3A_81 : memref<1x1x40x128xi32, #tpu.memory_space<hbm>> -> memref<40x128xi32, #tpu.memory_space<hbm>>
            tpu.enqueue_dma source(%dma_start3A_82 : memref<40x128xi32, #tpu.memory_space<hbm>>) target(%arg8 : memref<40x128xi32, #tpu.memory_space<vmem>>) target_semaphore(%run_scoped3A : memref<!tpu.dma_semaphore, #tpu.memory_space<semaphore_mem>>)
            %dma_wait3A_83 = arith.constant 0 : i32
            %dma_wait3A_84 = arith.constant 0 : i32
            %dma_wait3A_85 = tpu.memref_slice %arg4[%arg1, %scan3A_52, %dma_wait3A_83, %dma_wait3A_84] : memref<16x4x40x128xi32, #tpu.memory_space<hbm>> -> memref<1x1x40x128xi32, #tpu.memory_space<hbm>>
            %dma_wait3A_86 = tpu.memref_squeeze %dma_wait3A_85 : memref<1x1x40x128xi32, #tpu.memory_space<hbm>> -> memref<40x128xi32, #tpu.memory_space<hbm>>
            %dma_wait3A_87 = arith.constant 0 : i32
            %dma_wait3A_88 = arith.constant 0 : i32
            %dma_wait3A_89 = tpu.memref_slice %arg4[%arg1, %scan3A_52, %dma_wait3A_87, %dma_wait3A_88] : memref<16x4x40x128xi32, #tpu.memory_space<hbm>> -> memref<1x1x40x128xi32, #tpu.memory_space<hbm>>
            %dma_wait3A_90 = tpu.memref_squeeze %dma_wait3A_89 : memref<1x1x40x128xi32, #tpu.memory_space<hbm>> -> memref<40x128xi32, #tpu.memory_space<hbm>>
            tpu.wait_dma2 semaphore(%run_scoped3A : memref<!tpu.dma_semaphore, #tpu.memory_space<semaphore_mem>>) src(%dma_wait3A_90 : memref<40x128xi32, #tpu.memory_space<hbm>>) dst(%arg8 : memref<40x128xi32, #tpu.memory_space<vmem>>)
            tpu.yield
          }) : () -> ()
          "tpu.region"() ({
            %run_scoped3A = tpu.sem_alloc : memref<!tpu.dma_semaphore, #tpu.memory_space<semaphore_mem>>
            %dma_start3A_75 = arith.constant 0 : i32
            %dma_start3A_76 = arith.constant 0 : i32
            %dma_start3A_77 = tpu.memref_slice %arg5[%arg1, %scan3A_52, %dma_start3A_75, %dma_start3A_76] : memref<16x4x40x128xi32, #tpu.memory_space<hbm>> -> memref<1x1x40x128xi32, #tpu.memory_space<hbm>>
            %dma_start3A_78 = tpu.memref_squeeze %dma_start3A_77 : memref<1x1x40x128xi32, #tpu.memory_space<hbm>> -> memref<40x128xi32, #tpu.memory_space<hbm>>
            %dma_start3A_79 = arith.constant 0 : i32
            %dma_start3A_80 = arith.constant 0 : i32
            %dma_start3A_81 = tpu.memref_slice %arg5[%arg1, %scan3A_52, %dma_start3A_79, %dma_start3A_80] : memref<16x4x40x128xi32, #tpu.memory_space<hbm>> -> memref<1x1x40x128xi32, #tpu.memory_space<hbm>>
            %dma_start3A_82 = tpu.memref_squeeze %dma_start3A_81 : memref<1x1x40x128xi32, #tpu.memory_space<hbm>> -> memref<40x128xi32, #tpu.memory_space<hbm>>
            tpu.enqueue_dma source(%dma_start3A_82 : memref<40x128xi32, #tpu.memory_space<hbm>>) target(%arg9 : memref<40x128xi32, #tpu.memory_space<vmem>>) target_semaphore(%run_scoped3A : memref<!tpu.dma_semaphore, #tpu.memory_space<semaphore_mem>>)
            %dma_wait3A_83 = arith.constant 0 : i32
            %dma_wait3A_84 = arith.constant 0 : i32
            %dma_wait3A_85 = tpu.memref_slice %arg5[%arg1, %scan3A_52, %dma_wait3A_83, %dma_wait3A_84] : memref<16x4x40x128xi32, #tpu.memory_space<hbm>> -> memref<1x1x40x128xi32, #tpu.memory_space<hbm>>
            %dma_wait3A_86 = tpu.memref_squeeze %dma_wait3A_85 : memref<1x1x40x128xi32, #tpu.memory_space<hbm>> -> memref<40x128xi32, #tpu.memory_space<hbm>>
            %dma_wait3A_87 = arith.constant 0 : i32
            %dma_wait3A_88 = arith.constant 0 : i32
            %dma_wait3A_89 = tpu.memref_slice %arg5[%arg1, %scan3A_52, %dma_wait3A_87, %dma_wait3A_88] : memref<16x4x40x128xi32, #tpu.memory_space<hbm>> -> memref<1x1x40x128xi32, #tpu.memory_space<hbm>>
            %dma_wait3A_90 = tpu.memref_squeeze %dma_wait3A_89 : memref<1x1x40x128xi32, #tpu.memory_space<hbm>> -> memref<40x128xi32, #tpu.memory_space<hbm>>
            tpu.wait_dma2 semaphore(%run_scoped3A : memref<!tpu.dma_semaphore, #tpu.memory_space<semaphore_mem>>) src(%dma_wait3A_90 : memref<40x128xi32, #tpu.memory_space<hbm>>) dst(%arg9 : memref<40x128xi32, #tpu.memory_space<vmem>>)
            tpu.yield
          }) : () -> ()
        } else {
        }
        %dma_start3A_57 = arith.constant 0 : i32
        %dma_start3A_58 = arith.constant 0 : i32
        %dma_start3A_59 = arith.constant 0 : i32
        %dma_start3A_60 = arith.constant 0 : i32
        %dma_start3A_61 = tpu.memref_slice %arg10[%dma_start3A_58, %dma_start3A_59, %dma_start3A_60] : memref<2x128x128xf32, #tpu.memory_space<vmem>> -> memref<1x128x128xf32, #tpu.memory_space<vmem>>
        %dma_start3A_62 = tpu.memref_squeeze %dma_start3A_61 : memref<1x128x128xf32, #tpu.memory_space<vmem>> -> memref<128x128xf32, #tpu.memory_space<vmem>>
        %dma_start3A_63 = arith.constant 0 : i32
        %dma_start3A_64 = tpu.memref_slice %arg8[%dma_start3A_57, %dma_start3A_63] : memref<40x128xi32, #tpu.memory_space<vmem>> -> memref<1x128xi32, #tpu.memory_space<vmem>>
        %dma_start3A_65 = tpu.memref_squeeze %dma_start3A_64 : memref<1x128xi32, #tpu.memory_space<vmem>> -> memref<128xi32, #tpu.memory_space<vmem>>
        %dma_start3A_66 = arith.constant 0 : i32
        %dma_start3A_67 = arith.constant 0 : i32
        %dma_start3A_68 = tpu.memref_slice %arg2[%dma_start3A_66, %dma_start3A_67] : memref<10000x128xf32, #tpu.memory_space<hbm>> -> memref<10000x128xf32, #tpu.memory_space<hbm>>
        tpu.enqueue_indirect_dma source(%dma_start3A_68 : memref<10000x128xf32, #tpu.memory_space<hbm>>) target(%dma_start3A_62 : memref<128x128xf32, #tpu.memory_space<vmem>>) offsets(%dma_start3A_65 : memref<128xi32, #tpu.memory_space<vmem>>) semaphore(%arg12 : memref<!tpu.dma_semaphore, #tpu.memory_space<semaphore_mem>>)
        %scan3A_69 = arith.constant 0 : i32
        %scan3A_70 = arith.constant 0 : i32
        %scan3A_71 = arith.constant 20 : i32
        %scan3A_72 = arith.addi %scan3A_70, %scan3A_71 : i32
        %scan3A_73 = arith.constant 1 : i32
        scf.for %scan3A_75 = %scan3A_70 to %scan3A_72 step %scan3A_73  : i32 {
          %mul3A_76 = arith.constant 2 : i32
          %mul3A_77 = arith.muli %mul3A_76, %scan3A_75 : i32
          %add3A = arith.constant 1 : i32
          %add3A_78 = arith.addi %mul3A_77, %add3A : i32
          %dma_start3A_79 = arith.constant 1 : i32
          %dma_start3A_80 = arith.constant 0 : i32
          %dma_start3A_81 = arith.constant 0 : i32
          %dma_start3A_82 = tpu.memref_slice %arg10[%dma_start3A_79, %dma_start3A_80, %dma_start3A_81] : memref<2x128x128xf32, #tpu.memory_space<vmem>> -> memref<1x128x128xf32, #tpu.memory_space<vmem>>
          %dma_start3A_83 = tpu.memref_squeeze %dma_start3A_82 : memref<1x128x128xf32, #tpu.memory_space<vmem>> -> memref<128x128xf32, #tpu.memory_space<vmem>>
          %dma_start3A_84 = arith.constant 0 : i32
          %dma_start3A_85 = tpu.memref_slice %arg8[%add3A_78, %dma_start3A_84] : memref<40x128xi32, #tpu.memory_space<vmem>> -> memref<1x128xi32, #tpu.memory_space<vmem>>
          %dma_start3A_86 = tpu.memref_squeeze %dma_start3A_85 : memref<1x128xi32, #tpu.memory_space<vmem>> -> memref<128xi32, #tpu.memory_space<vmem>>
          %dma_start3A_87 = arith.constant 0 : i32
          %dma_start3A_88 = arith.constant 0 : i32
          %dma_start3A_89 = tpu.memref_slice %arg2[%dma_start3A_87, %dma_start3A_88] : memref<10000x128xf32, #tpu.memory_space<hbm>> -> memref<10000x128xf32, #tpu.memory_space<hbm>>
          tpu.enqueue_indirect_dma source(%dma_start3A_89 : memref<10000x128xf32, #tpu.memory_space<hbm>>) target(%dma_start3A_83 : memref<128x128xf32, #tpu.memory_space<vmem>>) offsets(%dma_start3A_86 : memref<128xi32, #tpu.memory_space<vmem>>) semaphore(%arg13 : memref<!tpu.dma_semaphore, #tpu.memory_space<semaphore_mem>>)
          %dma_wait3A_90 = arith.constant 0 : i32
          %dma_wait3A_91 = arith.constant 0 : i32
          %dma_wait3A_92 = arith.constant 0 : i32
          %dma_wait3A_93 = tpu.memref_slice %arg10[%dma_wait3A_90, %dma_wait3A_91, %dma_wait3A_92] : memref<2x128x128xf32, #tpu.memory_space<vmem>> -> memref<1x128x128xf32, #tpu.memory_space<vmem>>
          %dma_wait3A_94 = tpu.memref_squeeze %dma_wait3A_93 : memref<1x128x128xf32, #tpu.memory_space<vmem>> -> memref<128x128xf32, #tpu.memory_space<vmem>>
          %dma_wait3A_95 = arith.constant 0 : i32
          %dma_wait3A_96 = tpu.memref_slice %arg8[%mul3A_77, %dma_wait3A_95] : memref<40x128xi32, #tpu.memory_space<vmem>> -> memref<1x128xi32, #tpu.memory_space<vmem>>
          %dma_wait3A_97 = tpu.memref_squeeze %dma_wait3A_96 : memref<1x128xi32, #tpu.memory_space<vmem>> -> memref<128xi32, #tpu.memory_space<vmem>>
          %dma_wait3A_98 = arith.constant 0 : i32
          %dma_wait3A_99 = arith.constant 0 : i32
          %dma_wait3A_100 = tpu.memref_slice %arg2[%dma_wait3A_98, %dma_wait3A_99] : memref<10000x128xf32, #tpu.memory_space<hbm>> -> memref<10000x128xf32, #tpu.memory_space<hbm>>
          tpu.wait_indirect_dma semaphore(%arg12 : memref<!tpu.dma_semaphore, #tpu.memory_space<semaphore_mem>>) src(%dma_wait3A_100 : memref<10000x128xf32, #tpu.memory_space<hbm>>) dst(%dma_wait3A_94 : memref<128x128xf32, #tpu.memory_space<vmem>>)
          %run_scoped3A = arith.constant 0 : i32
          "tpu.region"() ({
            %run_scoped3A_119 = tpu.sem_alloc : memref<!tpu.dma_semaphore, #tpu.memory_space<semaphore_mem>>
            %dma_start3A_120 = arith.constant 0 : i32
            %dma_start3A_121 = arith.constant 0 : i32
            %dma_start3A_122 = tpu.memref_slice %arg10[%run_scoped3A, %dma_start3A_120, %dma_start3A_121] : memref<2x128x128xf32, #tpu.memory_space<vmem>> -> memref<1x128x128xf32, #tpu.memory_space<vmem>>
            %dma_start3A_123 = tpu.memref_squeeze %dma_start3A_122 : memref<1x128x128xf32, #tpu.memory_space<vmem>> -> memref<128x128xf32, #tpu.memory_space<vmem>>
            %dma_start3A_124 = arith.constant 0 : i32
            %dma_start3A_125 = tpu.memref_slice %arg9[%mul3A_77, %dma_start3A_124] : memref<40x128xi32, #tpu.memory_space<vmem>> -> memref<1x128xi32, #tpu.memory_space<vmem>>
            %dma_start3A_126 = tpu.memref_squeeze %dma_start3A_125 : memref<1x128xi32, #tpu.memory_space<vmem>> -> memref<128xi32, #tpu.memory_space<vmem>>
            %dma_start3A_127 = arith.constant 0 : i32
            %dma_start3A_128 = arith.constant 0 : i32
            %dma_start3A_129 = tpu.memref_slice %arg11[%dma_start3A_127, %dma_start3A_128] : memref<10112x128xf32, #tpu.memory_space<vmem_shared>> -> memref<10112x128xf32, #tpu.memory_space<vmem_shared>>
            tpu.enqueue_indirect_dma source(%dma_start3A_123 : memref<128x128xf32, #tpu.memory_space<vmem>>) target(%dma_start3A_129 : memref<10112x128xf32, #tpu.memory_space<vmem_shared>>) offsets(%dma_start3A_126 : memref<128xi32, #tpu.memory_space<vmem>>) semaphore(%run_scoped3A_119 : memref<!tpu.dma_semaphore, #tpu.memory_space<semaphore_mem>>) {add = true}
            %dma_wait3A_130 = arith.constant 0 : i32
            %dma_wait3A_131 = arith.constant 0 : i32
            %dma_wait3A_132 = tpu.memref_slice %arg10[%run_scoped3A, %dma_wait3A_130, %dma_wait3A_131] : memref<2x128x128xf32, #tpu.memory_space<vmem>> -> memref<1x128x128xf32, #tpu.memory_space<vmem>>
            %dma_wait3A_133 = tpu.memref_squeeze %dma_wait3A_132 : memref<1x128x128xf32, #tpu.memory_space<vmem>> -> memref<128x128xf32, #tpu.memory_space<vmem>>
            %dma_wait3A_134 = arith.constant 0 : i32
            %dma_wait3A_135 = tpu.memref_slice %arg9[%mul3A_77, %dma_wait3A_134] : memref<40x128xi32, #tpu.memory_space<vmem>> -> memref<1x128xi32, #tpu.memory_space<vmem>>
            %dma_wait3A_136 = tpu.memref_squeeze %dma_wait3A_135 : memref<1x128xi32, #tpu.memory_space<vmem>> -> memref<128xi32, #tpu.memory_space<vmem>>
            %dma_wait3A_137 = arith.constant 0 : i32
            %dma_wait3A_138 = arith.constant 0 : i32
            %dma_wait3A_139 = tpu.memref_slice %arg11[%dma_wait3A_137, %dma_wait3A_138] : memref<10112x128xf32, #tpu.memory_space<vmem_shared>> -> memref<10112x128xf32, #tpu.memory_space<vmem_shared>>
            tpu.wait_indirect_dma semaphore(%run_scoped3A_119 : memref<!tpu.dma_semaphore, #tpu.memory_space<semaphore_mem>>) src(%dma_wait3A_133 : memref<128x128xf32, #tpu.memory_space<vmem>>) dst(%dma_wait3A_139 : memref<10112x128xf32, #tpu.memory_space<vmem_shared>>)
            tpu.yield
          }) : () -> ()
          %add3A_101 = arith.constant 2 : i32
          %add3A_102 = arith.addi %mul3A_77, %add3A_101 : i32
          %lt3A = arith.constant 40 : i32
          %lt3A_103 = arith.cmpi slt, %add3A_102, %lt3A : i32
          %convert_element_type3A_104 = arith.extui %lt3A_103 : i1 to i32
          %cond3A_105 = arith.constant 0 : i32
          %cond3A_106 = arith.cmpi ne, %convert_element_type3A_104, %cond3A_105 : i32
          scf.if %cond3A_106 {
            %add3A_119 = arith.constant 2 : i32
            %add3A_120 = arith.addi %mul3A_77, %add3A_119 : i32
            %dma_start3A_121 = arith.constant 0 : i32
            %dma_start3A_122 = arith.constant 0 : i32
            %dma_start3A_123 = arith.constant 0 : i32
            %dma_start3A_124 = tpu.memref_slice %arg10[%dma_start3A_121, %dma_start3A_122, %dma_start3A_123] : memref<2x128x128xf32, #tpu.memory_space<vmem>> -> memref<1x128x128xf32, #tpu.memory_space<vmem>>
            %dma_start3A_125 = tpu.memref_squeeze %dma_start3A_124 : memref<1x128x128xf32, #tpu.memory_space<vmem>> -> memref<128x128xf32, #tpu.memory_space<vmem>>
            %dma_start3A_126 = arith.constant 0 : i32
            %dma_start3A_127 = tpu.memref_slice %arg8[%add3A_120, %dma_start3A_126] : memref<40x128xi32, #tpu.memory_space<vmem>> -> memref<1x128xi32, #tpu.memory_space<vmem>>
            %dma_start3A_128 = tpu.memref_squeeze %dma_start3A_127 : memref<1x128xi32, #tpu.memory_space<vmem>> -> memref<128xi32, #tpu.memory_space<vmem>>
            %dma_start3A_129 = arith.constant 0 : i32
            %dma_start3A_130 = arith.constant 0 : i32
            %dma_start3A_131 = tpu.memref_slice %arg2[%dma_start3A_129, %dma_start3A_130] : memref<10000x128xf32, #tpu.memory_space<hbm>> -> memref<10000x128xf32, #tpu.memory_space<hbm>>
            tpu.enqueue_indirect_dma source(%dma_start3A_131 : memref<10000x128xf32, #tpu.memory_space<hbm>>) target(%dma_start3A_125 : memref<128x128xf32, #tpu.memory_space<vmem>>) offsets(%dma_start3A_128 : memref<128xi32, #tpu.memory_space<vmem>>) semaphore(%arg12 : memref<!tpu.dma_semaphore, #tpu.memory_space<semaphore_mem>>)
          } else {
          }
          %dma_wait3A_107 = arith.constant 1 : i32
          %dma_wait3A_108 = arith.constant 0 : i32
          %dma_wait3A_109 = arith.constant 0 : i32
          %dma_wait3A_110 = tpu.memref_slice %arg10[%dma_wait3A_107, %dma_wait3A_108, %dma_wait3A_109] : memref<2x128x128xf32, #tpu.memory_space<vmem>> -> memref<1x128x128xf32, #tpu.memory_space<vmem>>
          %dma_wait3A_111 = tpu.memref_squeeze %dma_wait3A_110 : memref<1x128x128xf32, #tpu.memory_space<vmem>> -> memref<128x128xf32, #tpu.memory_space<vmem>>
          %dma_wait3A_112 = arith.constant 0 : i32
          %dma_wait3A_113 = tpu.memref_slice %arg8[%add3A_78, %dma_wait3A_112] : memref<40x128xi32, #tpu.memory_space<vmem>> -> memref<1x128xi32, #tpu.memory_space<vmem>>
          %dma_wait3A_114 = tpu.memref_squeeze %dma_wait3A_113 : memref<1x128xi32, #tpu.memory_space<vmem>> -> memref<128xi32, #tpu.memory_space<vmem>>
          %dma_wait3A_115 = arith.constant 0 : i32
          %dma_wait3A_116 = arith.constant 0 : i32
          %dma_wait3A_117 = tpu.memref_slice %arg2[%dma_wait3A_115, %dma_wait3A_116] : memref<10000x128xf32, #tpu.memory_space<hbm>> -> memref<10000x128xf32, #tpu.memory_space<hbm>>
          tpu.wait_indirect_dma semaphore(%arg13 : memref<!tpu.dma_semaphore, #tpu.memory_space<semaphore_mem>>) src(%dma_wait3A_117 : memref<10000x128xf32, #tpu.memory_space<hbm>>) dst(%dma_wait3A_111 : memref<128x128xf32, #tpu.memory_space<vmem>>)
          %run_scoped3A_118 = arith.constant 1 : i32
          "tpu.region"() ({
            %run_scoped3A_119 = tpu.sem_alloc : memref<!tpu.dma_semaphore, #tpu.memory_space<semaphore_mem>>
            %dma_start3A_120 = arith.constant 0 : i32
            %dma_start3A_121 = arith.constant 0 : i32
            %dma_start3A_122 = tpu.memref_slice %arg10[%run_scoped3A_118, %dma_start3A_120, %dma_start3A_121] : memref<2x128x128xf32, #tpu.memory_space<vmem>> -> memref<1x128x128xf32, #tpu.memory_space<vmem>>
            %dma_start3A_123 = tpu.memref_squeeze %dma_start3A_122 : memref<1x128x128xf32, #tpu.memory_space<vmem>> -> memref<128x128xf32, #tpu.memory_space<vmem>>
            %dma_start3A_124 = arith.constant 0 : i32
            %dma_start3A_125 = tpu.memref_slice %arg9[%add3A_78, %dma_start3A_124] : memref<40x128xi32, #tpu.memory_space<vmem>> -> memref<1x128xi32, #tpu.memory_space<vmem>>
            %dma_start3A_126 = tpu.memref_squeeze %dma_start3A_125 : memref<1x128xi32, #tpu.memory_space<vmem>> -> memref<128xi32, #tpu.memory_space<vmem>>
            %dma_start3A_127 = arith.constant 0 : i32
            %dma_start3A_128 = arith.constant 0 : i32
            %dma_start3A_129 = tpu.memref_slice %arg11[%dma_start3A_127, %dma_start3A_128] : memref<10112x128xf32, #tpu.memory_space<vmem_shared>> -> memref<10112x128xf32, #tpu.memory_space<vmem_shared>>
            tpu.enqueue_indirect_dma source(%dma_start3A_123 : memref<128x128xf32, #tpu.memory_space<vmem>>) target(%dma_start3A_129 : memref<10112x128xf32, #tpu.memory_space<vmem_shared>>) offsets(%dma_start3A_126 : memref<128xi32, #tpu.memory_space<vmem>>) semaphore(%run_scoped3A_119 : memref<!tpu.dma_semaphore, #tpu.memory_space<semaphore_mem>>) {add = true}
            %dma_wait3A_130 = arith.constant 0 : i32
            %dma_wait3A_131 = arith.constant 0 : i32
            %dma_wait3A_132 = tpu.memref_slice %arg10[%run_scoped3A_118, %dma_wait3A_130, %dma_wait3A_131] : memref<2x128x128xf32, #tpu.memory_space<vmem>> -> memref<1x128x128xf32, #tpu.memory_space<vmem>>
            %dma_wait3A_133 = tpu.memref_squeeze %dma_wait3A_132 : memref<1x128x128xf32, #tpu.memory_space<vmem>> -> memref<128x128xf32, #tpu.memory_space<vmem>>
            %dma_wait3A_134 = arith.constant 0 : i32
            %dma_wait3A_135 = tpu.memref_slice %arg9[%add3A_78, %dma_wait3A_134] : memref<40x128xi32, #tpu.memory_space<vmem>> -> memref<1x128xi32, #tpu.memory_space<vmem>>
            %dma_wait3A_136 = tpu.memref_squeeze %dma_wait3A_135 : memref<1x128xi32, #tpu.memory_space<vmem>> -> memref<128xi32, #tpu.memory_space<vmem>>
            %dma_wait3A_137 = arith.constant 0 : i32
            %dma_wait3A_138 = arith.constant 0 : i32
            %dma_wait3A_139 = tpu.memref_slice %arg11[%dma_wait3A_137, %dma_wait3A_138] : memref<10112x128xf32, #tpu.memory_space<vmem_shared>> -> memref<10112x128xf32, #tpu.memory_space<vmem_shared>>
            tpu.wait_indirect_dma semaphore(%run_scoped3A_119 : memref<!tpu.dma_semaphore, #tpu.memory_space<semaphore_mem>>) src(%dma_wait3A_133 : memref<128x128xf32, #tpu.memory_space<vmem>>) dst(%dma_wait3A_139 : memref<10112x128xf32, #tpu.memory_space<vmem_shared>>)
            tpu.yield
          }) : () -> ()
        }
        %scan3A_74 = arith.constant 20 : i32
      }
      %scan3A_51 = arith.constant 4 : i32
    } else {
    }
    %eq3A_37 = arith.constant 1 : i32
    %eq3A_38 = arith.cmpi eq, %arg0, %eq3A_37 : i32
    %convert_element_type3A_39 = arith.extui %eq3A_38 : i1 to i32
    %cond3A_40 = arith.constant 0 : i32
    %cond3A_41 = arith.cmpi ne, %convert_element_type3A_39, %cond3A_40 : i32
    scf.if %cond3A_41 {
      %scan3A = arith.constant 0 : i32
      %scan3A_47 = arith.constant 0 : i32
      %scan3A_48 = arith.constant 4 : i32
      %scan3A_49 = arith.addi %scan3A_47, %scan3A_48 : i32
      %scan3A_50 = arith.constant 1 : i32
      scf.for %scan3A_52 = %scan3A_47 to %scan3A_49 step %scan3A_50  : i32 {
        %gt3A = arith.constant 0 : i32
        %gt3A_53 = arith.cmpi sgt, %scan3A_52, %gt3A : i32
        %convert_element_type3A_54 = arith.extui %gt3A_53 : i1 to i32
        %cond3A_55 = arith.constant 0 : i32
        %cond3A_56 = arith.cmpi ne, %convert_element_type3A_54, %cond3A_55 : i32
        scf.if %cond3A_56 {
          "tpu.region"() ({
            %run_scoped3A = tpu.sem_alloc : memref<!tpu.dma_semaphore, #tpu.memory_space<semaphore_mem>>
            %dma_start3A_75 = arith.constant 0 : i32
            %dma_start3A_76 = arith.constant 0 : i32
            %dma_start3A_77 = tpu.memref_slice %arg4[%arg1, %scan3A_52, %dma_start3A_75, %dma_start3A_76] : memref<16x4x40x128xi32, #tpu.memory_space<hbm>> -> memref<1x1x40x128xi32, #tpu.memory_space<hbm>>
            %dma_start3A_78 = tpu.memref_squeeze %dma_start3A_77 : memref<1x1x40x128xi32, #tpu.memory_space<hbm>> -> memref<40x128xi32, #tpu.memory_space<hbm>>
            %dma_start3A_79 = arith.constant 0 : i32
            %dma_start3A_80 = arith.constant 0 : i32
            %dma_start3A_81 = tpu.memref_slice %arg4[%arg1, %scan3A_52, %dma_start3A_79, %dma_start3A_80] : memref<16x4x40x128xi32, #tpu.memory_space<hbm>> -> memref<1x1x40x128xi32, #tpu.memory_space<hbm>>
            %dma_start3A_82 = tpu.memref_squeeze %dma_start3A_81 : memref<1x1x40x128xi32, #tpu.memory_space<hbm>> -> memref<40x128xi32, #tpu.memory_space<hbm>>
            tpu.enqueue_dma source(%dma_start3A_82 : memref<40x128xi32, #tpu.memory_space<hbm>>) target(%arg8 : memref<40x128xi32, #tpu.memory_space<vmem>>) target_semaphore(%run_scoped3A : memref<!tpu.dma_semaphore, #tpu.memory_space<semaphore_mem>>)
            %dma_wait3A_83 = arith.constant 0 : i32
            %dma_wait3A_84 = arith.constant 0 : i32
            %dma_wait3A_85 = tpu.memref_slice %arg4[%arg1, %scan3A_52, %dma_wait3A_83, %dma_wait3A_84] : memref<16x4x40x128xi32, #tpu.memory_space<hbm>> -> memref<1x1x40x128xi32, #tpu.memory_space<hbm>>
            %dma_wait3A_86 = tpu.memref_squeeze %dma_wait3A_85 : memref<1x1x40x128xi32, #tpu.memory_space<hbm>> -> memref<40x128xi32, #tpu.memory_space<hbm>>
            %dma_wait3A_87 = arith.constant 0 : i32
            %dma_wait3A_88 = arith.constant 0 : i32
            %dma_wait3A_89 = tpu.memref_slice %arg4[%arg1, %scan3A_52, %dma_wait3A_87, %dma_wait3A_88] : memref<16x4x40x128xi32, #tpu.memory_space<hbm>> -> memref<1x1x40x128xi32, #tpu.memory_space<hbm>>
            %dma_wait3A_90 = tpu.memref_squeeze %dma_wait3A_89 : memref<1x1x40x128xi32, #tpu.memory_space<hbm>> -> memref<40x128xi32, #tpu.memory_space<hbm>>
            tpu.wait_dma2 semaphore(%run_scoped3A : memref<!tpu.dma_semaphore, #tpu.memory_space<semaphore_mem>>) src(%dma_wait3A_90 : memref<40x128xi32, #tpu.memory_space<hbm>>) dst(%arg8 : memref<40x128xi32, #tpu.memory_space<vmem>>)
            tpu.yield
          }) : () -> ()
          "tpu.region"() ({
            %run_scoped3A = tpu.sem_alloc : memref<!tpu.dma_semaphore, #tpu.memory_space<semaphore_mem>>
            %dma_start3A_75 = arith.constant 0 : i32
            %dma_start3A_76 = arith.constant 0 : i32
            %dma_start3A_77 = tpu.memref_slice %arg5[%arg1, %scan3A_52, %dma_start3A_75, %dma_start3A_76] : memref<16x4x40x128xi32, #tpu.memory_space<hbm>> -> memref<1x1x40x128xi32, #tpu.memory_space<hbm>>
            %dma_start3A_78 = tpu.memref_squeeze %dma_start3A_77 : memref<1x1x40x128xi32, #tpu.memory_space<hbm>> -> memref<40x128xi32, #tpu.memory_space<hbm>>
            %dma_start3A_79 = arith.constant 0 : i32
            %dma_start3A_80 = arith.constant 0 : i32
            %dma_start3A_81 = tpu.memref_slice %arg5[%arg1, %scan3A_52, %dma_start3A_79, %dma_start3A_80] : memref<16x4x40x128xi32, #tpu.memory_space<hbm>> -> memref<1x1x40x128xi32, #tpu.memory_space<hbm>>
            %dma_start3A_82 = tpu.memref_squeeze %dma_start3A_81 : memref<1x1x40x128xi32, #tpu.memory_space<hbm>> -> memref<40x128xi32, #tpu.memory_space<hbm>>
            tpu.enqueue_dma source(%dma_start3A_82 : memref<40x128xi32, #tpu.memory_space<hbm>>) target(%arg9 : memref<40x128xi32, #tpu.memory_space<vmem>>) target_semaphore(%run_scoped3A : memref<!tpu.dma_semaphore, #tpu.memory_space<semaphore_mem>>)
            %dma_wait3A_83 = arith.constant 0 : i32
            %dma_wait3A_84 = arith.constant 0 : i32
            %dma_wait3A_85 = tpu.memref_slice %arg5[%arg1, %scan3A_52, %dma_wait3A_83, %dma_wait3A_84] : memref<16x4x40x128xi32, #tpu.memory_space<hbm>> -> memref<1x1x40x128xi32, #tpu.memory_space<hbm>>
            %dma_wait3A_86 = tpu.memref_squeeze %dma_wait3A_85 : memref<1x1x40x128xi32, #tpu.memory_space<hbm>> -> memref<40x128xi32, #tpu.memory_space<hbm>>
            %dma_wait3A_87 = arith.constant 0 : i32
            %dma_wait3A_88 = arith.constant 0 : i32
            %dma_wait3A_89 = tpu.memref_slice %arg5[%arg1, %scan3A_52, %dma_wait3A_87, %dma_wait3A_88] : memref<16x4x40x128xi32, #tpu.memory_space<hbm>> -> memref<1x1x40x128xi32, #tpu.memory_space<hbm>>
            %dma_wait3A_90 = tpu.memref_squeeze %dma_wait3A_89 : memref<1x1x40x128xi32, #tpu.memory_space<hbm>> -> memref<40x128xi32, #tpu.memory_space<hbm>>
            tpu.wait_dma2 semaphore(%run_scoped3A : memref<!tpu.dma_semaphore, #tpu.memory_space<semaphore_mem>>) src(%dma_wait3A_90 : memref<40x128xi32, #tpu.memory_space<hbm>>) dst(%arg9 : memref<40x128xi32, #tpu.memory_space<vmem>>)
            tpu.yield
          }) : () -> ()
        } else {
        }
        %dma_start3A_57 = arith.constant 0 : i32
        %dma_start3A_58 = arith.constant 0 : i32
        %dma_start3A_59 = arith.constant 0 : i32
        %dma_start3A_60 = arith.constant 0 : i32
        %dma_start3A_61 = tpu.memref_slice %arg10[%dma_start3A_58, %dma_start3A_59, %dma_start3A_60] : memref<2x128x128xf32, #tpu.memory_space<vmem>> -> memref<1x128x128xf32, #tpu.memory_space<vmem>>
        %dma_start3A_62 = tpu.memref_squeeze %dma_start3A_61 : memref<1x128x128xf32, #tpu.memory_space<vmem>> -> memref<128x128xf32, #tpu.memory_space<vmem>>
        %dma_start3A_63 = arith.constant 0 : i32
        %dma_start3A_64 = tpu.memref_slice %arg8[%dma_start3A_57, %dma_start3A_63] : memref<40x128xi32, #tpu.memory_space<vmem>> -> memref<1x128xi32, #tpu.memory_space<vmem>>
        %dma_start3A_65 = tpu.memref_squeeze %dma_start3A_64 : memref<1x128xi32, #tpu.memory_space<vmem>> -> memref<128xi32, #tpu.memory_space<vmem>>
        %dma_start3A_66 = arith.constant 0 : i32
        %dma_start3A_67 = arith.constant 0 : i32
        %dma_start3A_68 = tpu.memref_slice %arg3[%dma_start3A_66, %dma_start3A_67] : memref<10000x128xf32, #tpu.memory_space<hbm>> -> memref<10000x128xf32, #tpu.memory_space<hbm>>
        tpu.enqueue_indirect_dma source(%dma_start3A_68 : memref<10000x128xf32, #tpu.memory_space<hbm>>) target(%dma_start3A_62 : memref<128x128xf32, #tpu.memory_space<vmem>>) offsets(%dma_start3A_65 : memref<128xi32, #tpu.memory_space<vmem>>) semaphore(%arg12 : memref<!tpu.dma_semaphore, #tpu.memory_space<semaphore_mem>>)
        %scan3A_69 = arith.constant 0 : i32
        %scan3A_70 = arith.constant 0 : i32
        %scan3A_71 = arith.constant 20 : i32
        %scan3A_72 = arith.addi %scan3A_70, %scan3A_71 : i32
        %scan3A_73 = arith.constant 1 : i32
        scf.for %scan3A_75 = %scan3A_70 to %scan3A_72 step %scan3A_73  : i32 {
          %mul3A_76 = arith.constant 2 : i32
          %mul3A_77 = arith.muli %mul3A_76, %scan3A_75 : i32
          %add3A = arith.constant 1 : i32
          %add3A_78 = arith.addi %mul3A_77, %add3A : i32
          %dma_start3A_79 = arith.constant 1 : i32
          %dma_start3A_80 = arith.constant 0 : i32
          %dma_start3A_81 = arith.constant 0 : i32
          %dma_start3A_82 = tpu.memref_slice %arg10[%dma_start3A_79, %dma_start3A_80, %dma_start3A_81] : memref<2x128x128xf32, #tpu.memory_space<vmem>> -> memref<1x128x128xf32, #tpu.memory_space<vmem>>
          %dma_start3A_83 = tpu.memref_squeeze %dma_start3A_82 : memref<1x128x128xf32, #tpu.memory_space<vmem>> -> memref<128x128xf32, #tpu.memory_space<vmem>>
          %dma_start3A_84 = arith.constant 0 : i32
          %dma_start3A_85 = tpu.memref_slice %arg8[%add3A_78, %dma_start3A_84] : memref<40x128xi32, #tpu.memory_space<vmem>> -> memref<1x128xi32, #tpu.memory_space<vmem>>
          %dma_start3A_86 = tpu.memref_squeeze %dma_start3A_85 : memref<1x128xi32, #tpu.memory_space<vmem>> -> memref<128xi32, #tpu.memory_space<vmem>>
          %dma_start3A_87 = arith.constant 0 : i32
          %dma_start3A_88 = arith.constant 0 : i32
          %dma_start3A_89 = tpu.memref_slice %arg3[%dma_start3A_87, %dma_start3A_88] : memref<10000x128xf32, #tpu.memory_space<hbm>> -> memref<10000x128xf32, #tpu.memory_space<hbm>>
          tpu.enqueue_indirect_dma source(%dma_start3A_89 : memref<10000x128xf32, #tpu.memory_space<hbm>>) target(%dma_start3A_83 : memref<128x128xf32, #tpu.memory_space<vmem>>) offsets(%dma_start3A_86 : memref<128xi32, #tpu.memory_space<vmem>>) semaphore(%arg13 : memref<!tpu.dma_semaphore, #tpu.memory_space<semaphore_mem>>)
          %dma_wait3A_90 = arith.constant 0 : i32
          %dma_wait3A_91 = arith.constant 0 : i32
          %dma_wait3A_92 = arith.constant 0 : i32
          %dma_wait3A_93 = tpu.memref_slice %arg10[%dma_wait3A_90, %dma_wait3A_91, %dma_wait3A_92] : memref<2x128x128xf32, #tpu.memory_space<vmem>> -> memref<1x128x128xf32, #tpu.memory_space<vmem>>
          %dma_wait3A_94 = tpu.memref_squeeze %dma_wait3A_93 : memref<1x128x128xf32, #tpu.memory_space<vmem>> -> memref<128x128xf32, #tpu.memory_space<vmem>>
          %dma_wait3A_95 = arith.constant 0 : i32
          %dma_wait3A_96 = tpu.memref_slice %arg8[%mul3A_77, %dma_wait3A_95] : memref<40x128xi32, #tpu.memory_space<vmem>> -> memref<1x128xi32, #tpu.memory_space<vmem>>
          %dma_wait3A_97 = tpu.memref_squeeze %dma_wait3A_96 : memref<1x128xi32, #tpu.memory_space<vmem>> -> memref<128xi32, #tpu.memory_space<vmem>>
          %dma_wait3A_98 = arith.constant 0 : i32
          %dma_wait3A_99 = arith.constant 0 : i32
          %dma_wait3A_100 = tpu.memref_slice %arg3[%dma_wait3A_98, %dma_wait3A_99] : memref<10000x128xf32, #tpu.memory_space<hbm>> -> memref<10000x128xf32, #tpu.memory_space<hbm>>
          tpu.wait_indirect_dma semaphore(%arg12 : memref<!tpu.dma_semaphore, #tpu.memory_space<semaphore_mem>>) src(%dma_wait3A_100 : memref<10000x128xf32, #tpu.memory_space<hbm>>) dst(%dma_wait3A_94 : memref<128x128xf32, #tpu.memory_space<vmem>>)
          %run_scoped3A = arith.constant 0 : i32
          "tpu.region"() ({
            %run_scoped3A_119 = tpu.sem_alloc : memref<!tpu.dma_semaphore, #tpu.memory_space<semaphore_mem>>
            %dma_start3A_120 = arith.constant 0 : i32
            %dma_start3A_121 = arith.constant 0 : i32
            %dma_start3A_122 = tpu.memref_slice %arg10[%run_scoped3A, %dma_start3A_120, %dma_start3A_121] : memref<2x128x128xf32, #tpu.memory_space<vmem>> -> memref<1x128x128xf32, #tpu.memory_space<vmem>>
            %dma_start3A_123 = tpu.memref_squeeze %dma_start3A_122 : memref<1x128x128xf32, #tpu.memory_space<vmem>> -> memref<128x128xf32, #tpu.memory_space<vmem>>
            %dma_start3A_124 = arith.constant 0 : i32
            %dma_start3A_125 = tpu.memref_slice %arg9[%mul3A_77, %dma_start3A_124] : memref<40x128xi32, #tpu.memory_space<vmem>> -> memref<1x128xi32, #tpu.memory_space<vmem>>
            %dma_start3A_126 = tpu.memref_squeeze %dma_start3A_125 : memref<1x128xi32, #tpu.memory_space<vmem>> -> memref<128xi32, #tpu.memory_space<vmem>>
            %dma_start3A_127 = arith.constant 0 : i32
            %dma_start3A_128 = arith.constant 0 : i32
            %dma_start3A_129 = tpu.memref_slice %arg11[%dma_start3A_127, %dma_start3A_128] : memref<10112x128xf32, #tpu.memory_space<vmem_shared>> -> memref<10112x128xf32, #tpu.memory_space<vmem_shared>>
            tpu.enqueue_indirect_dma source(%dma_start3A_123 : memref<128x128xf32, #tpu.memory_space<vmem>>) target(%dma_start3A_129 : memref<10112x128xf32, #tpu.memory_space<vmem_shared>>) offsets(%dma_start3A_126 : memref<128xi32, #tpu.memory_space<vmem>>) semaphore(%run_scoped3A_119 : memref<!tpu.dma_semaphore, #tpu.memory_space<semaphore_mem>>) {add = true}
            %dma_wait3A_130 = arith.constant 0 : i32
            %dma_wait3A_131 = arith.constant 0 : i32
            %dma_wait3A_132 = tpu.memref_slice %arg10[%run_scoped3A, %dma_wait3A_130, %dma_wait3A_131] : memref<2x128x128xf32, #tpu.memory_space<vmem>> -> memref<1x128x128xf32, #tpu.memory_space<vmem>>
            %dma_wait3A_133 = tpu.memref_squeeze %dma_wait3A_132 : memref<1x128x128xf32, #tpu.memory_space<vmem>> -> memref<128x128xf32, #tpu.memory_space<vmem>>
            %dma_wait3A_134 = arith.constant 0 : i32
            %dma_wait3A_135 = tpu.memref_slice %arg9[%mul3A_77, %dma_wait3A_134] : memref<40x128xi32, #tpu.memory_space<vmem>> -> memref<1x128xi32, #tpu.memory_space<vmem>>
            %dma_wait3A_136 = tpu.memref_squeeze %dma_wait3A_135 : memref<1x128xi32, #tpu.memory_space<vmem>> -> memref<128xi32, #tpu.memory_space<vmem>>
            %dma_wait3A_137 = arith.constant 0 : i32
            %dma_wait3A_138 = arith.constant 0 : i32
            %dma_wait3A_139 = tpu.memref_slice %arg11[%dma_wait3A_137, %dma_wait3A_138] : memref<10112x128xf32, #tpu.memory_space<vmem_shared>> -> memref<10112x128xf32, #tpu.memory_space<vmem_shared>>
            tpu.wait_indirect_dma semaphore(%run_scoped3A_119 : memref<!tpu.dma_semaphore, #tpu.memory_space<semaphore_mem>>) src(%dma_wait3A_133 : memref<128x128xf32, #tpu.memory_space<vmem>>) dst(%dma_wait3A_139 : memref<10112x128xf32, #tpu.memory_space<vmem_shared>>)
            tpu.yield
          }) : () -> ()
          %add3A_101 = arith.constant 2 : i32
          %add3A_102 = arith.addi %mul3A_77, %add3A_101 : i32
          %lt3A = arith.constant 40 : i32
          %lt3A_103 = arith.cmpi slt, %add3A_102, %lt3A : i32
          %convert_element_type3A_104 = arith.extui %lt3A_103 : i1 to i32
          %cond3A_105 = arith.constant 0 : i32
          %cond3A_106 = arith.cmpi ne, %convert_element_type3A_104, %cond3A_105 : i32
          scf.if %cond3A_106 {
            %add3A_119 = arith.constant 2 : i32
            %add3A_120 = arith.addi %mul3A_77, %add3A_119 : i32
            %dma_start3A_121 = arith.constant 0 : i32
            %dma_start3A_122 = arith.constant 0 : i32
            %dma_start3A_123 = arith.constant 0 : i32
            %dma_start3A_124 = tpu.memref_slice %arg10[%dma_start3A_121, %dma_start3A_122, %dma_start3A_123] : memref<2x128x128xf32, #tpu.memory_space<vmem>> -> memref<1x128x128xf32, #tpu.memory_space<vmem>>
            %dma_start3A_125 = tpu.memref_squeeze %dma_start3A_124 : memref<1x128x128xf32, #tpu.memory_space<vmem>> -> memref<128x128xf32, #tpu.memory_space<vmem>>
            %dma_start3A_126 = arith.constant 0 : i32
            %dma_start3A_127 = tpu.memref_slice %arg8[%add3A_120, %dma_start3A_126] : memref<40x128xi32, #tpu.memory_space<vmem>> -> memref<1x128xi32, #tpu.memory_space<vmem>>
            %dma_start3A_128 = tpu.memref_squeeze %dma_start3A_127 : memref<1x128xi32, #tpu.memory_space<vmem>> -> memref<128xi32, #tpu.memory_space<vmem>>
            %dma_start3A_129 = arith.constant 0 : i32
            %dma_start3A_130 = arith.constant 0 : i32
            %dma_start3A_131 = tpu.memref_slice %arg3[%dma_start3A_129, %dma_start3A_130] : memref<10000x128xf32, #tpu.memory_space<hbm>> -> memref<10000x128xf32, #tpu.memory_space<hbm>>
            tpu.enqueue_indirect_dma source(%dma_start3A_131 : memref<10000x128xf32, #tpu.memory_space<hbm>>) target(%dma_start3A_125 : memref<128x128xf32, #tpu.memory_space<vmem>>) offsets(%dma_start3A_128 : memref<128xi32, #tpu.memory_space<vmem>>) semaphore(%arg12 : memref<!tpu.dma_semaphore, #tpu.memory_space<semaphore_mem>>)
          } else {
          }
          %dma_wait3A_107 = arith.constant 1 : i32
          %dma_wait3A_108 = arith.constant 0 : i32
          %dma_wait3A_109 = arith.constant 0 : i32
          %dma_wait3A_110 = tpu.memref_slice %arg10[%dma_wait3A_107, %dma_wait3A_108, %dma_wait3A_109] : memref<2x128x128xf32, #tpu.memory_space<vmem>> -> memref<1x128x128xf32, #tpu.memory_space<vmem>>
          %dma_wait3A_111 = tpu.memref_squeeze %dma_wait3A_110 : memref<1x128x128xf32, #tpu.memory_space<vmem>> -> memref<128x128xf32, #tpu.memory_space<vmem>>
          %dma_wait3A_112 = arith.constant 0 : i32
          %dma_wait3A_113 = tpu.memref_slice %arg8[%add3A_78, %dma_wait3A_112] : memref<40x128xi32, #tpu.memory_space<vmem>> -> memref<1x128xi32, #tpu.memory_space<vmem>>
          %dma_wait3A_114 = tpu.memref_squeeze %dma_wait3A_113 : memref<1x128xi32, #tpu.memory_space<vmem>> -> memref<128xi32, #tpu.memory_space<vmem>>
          %dma_wait3A_115 = arith.constant 0 : i32
          %dma_wait3A_116 = arith.constant 0 : i32
          %dma_wait3A_117 = tpu.memref_slice %arg3[%dma_wait3A_115, %dma_wait3A_116] : memref<10000x128xf32, #tpu.memory_space<hbm>> -> memref<10000x128xf32, #tpu.memory_space<hbm>>
          tpu.wait_indirect_dma semaphore(%arg13 : memref<!tpu.dma_semaphore, #tpu.memory_space<semaphore_mem>>) src(%dma_wait3A_117 : memref<10000x128xf32, #tpu.memory_space<hbm>>) dst(%dma_wait3A_111 : memref<128x128xf32, #tpu.memory_space<vmem>>)
          %run_scoped3A_118 = arith.constant 1 : i32
          "tpu.region"() ({
            %run_scoped3A_119 = tpu.sem_alloc : memref<!tpu.dma_semaphore, #tpu.memory_space<semaphore_mem>>
            %dma_start3A_120 = arith.constant 0 : i32
            %dma_start3A_121 = arith.constant 0 : i32
            %dma_start3A_122 = tpu.memref_slice %arg10[%run_scoped3A_118, %dma_start3A_120, %dma_start3A_121] : memref<2x128x128xf32, #tpu.memory_space<vmem>> -> memref<1x128x128xf32, #tpu.memory_space<vmem>>
            %dma_start3A_123 = tpu.memref_squeeze %dma_start3A_122 : memref<1x128x128xf32, #tpu.memory_space<vmem>> -> memref<128x128xf32, #tpu.memory_space<vmem>>
            %dma_start3A_124 = arith.constant 0 : i32
            %dma_start3A_125 = tpu.memref_slice %arg9[%add3A_78, %dma_start3A_124] : memref<40x128xi32, #tpu.memory_space<vmem>> -> memref<1x128xi32, #tpu.memory_space<vmem>>
            %dma_start3A_126 = tpu.memref_squeeze %dma_start3A_125 : memref<1x128xi32, #tpu.memory_space<vmem>> -> memref<128xi32, #tpu.memory_space<vmem>>
            %dma_start3A_127 = arith.constant 0 : i32
            %dma_start3A_128 = arith.constant 0 : i32
            %dma_start3A_129 = tpu.memref_slice %arg11[%dma_start3A_127, %dma_start3A_128] : memref<10112x128xf32, #tpu.memory_space<vmem_shared>> -> memref<10112x128xf32, #tpu.memory_space<vmem_shared>>
            tpu.enqueue_indirect_dma source(%dma_start3A_123 : memref<128x128xf32, #tpu.memory_space<vmem>>) target(%dma_start3A_129 : memref<10112x128xf32, #tpu.memory_space<vmem_shared>>) offsets(%dma_start3A_126 : memref<128xi32, #tpu.memory_space<vmem>>) semaphore(%run_scoped3A_119 : memref<!tpu.dma_semaphore, #tpu.memory_space<semaphore_mem>>) {add = true}
            %dma_wait3A_130 = arith.constant 0 : i32
            %dma_wait3A_131 = arith.constant 0 : i32
            %dma_wait3A_132 = tpu.memref_slice %arg10[%run_scoped3A_118, %dma_wait3A_130, %dma_wait3A_131] : memref<2x128x128xf32, #tpu.memory_space<vmem>> -> memref<1x128x128xf32, #tpu.memory_space<vmem>>
            %dma_wait3A_133 = tpu.memref_squeeze %dma_wait3A_132 : memref<1x128x128xf32, #tpu.memory_space<vmem>> -> memref<128x128xf32, #tpu.memory_space<vmem>>
            %dma_wait3A_134 = arith.constant 0 : i32
            %dma_wait3A_135 = tpu.memref_slice %arg9[%add3A_78, %dma_wait3A_134] : memref<40x128xi32, #tpu.memory_space<vmem>> -> memref<1x128xi32, #tpu.memory_space<vmem>>
            %dma_wait3A_136 = tpu.memref_squeeze %dma_wait3A_135 : memref<1x128xi32, #tpu.memory_space<vmem>> -> memref<128xi32, #tpu.memory_space<vmem>>
            %dma_wait3A_137 = arith.constant 0 : i32
            %dma_wait3A_138 = arith.constant 0 : i32
            %dma_wait3A_139 = tpu.memref_slice %arg11[%dma_wait3A_137, %dma_wait3A_138] : memref<10112x128xf32, #tpu.memory_space<vmem_shared>> -> memref<10112x128xf32, #tpu.memory_space<vmem_shared>>
            tpu.wait_indirect_dma semaphore(%run_scoped3A_119 : memref<!tpu.dma_semaphore, #tpu.memory_space<semaphore_mem>>) src(%dma_wait3A_133 : memref<128x128xf32, #tpu.memory_space<vmem>>) dst(%dma_wait3A_139 : memref<10112x128xf32, #tpu.memory_space<vmem_shared>>)
            tpu.yield
          }) : () -> ()
        }
        %scan3A_74 = arith.constant 20 : i32
      }
      %scan3A_51 = arith.constant 4 : i32
    } else {
    }
    %barrier3A_42 = arith.constant 0 : index
    tpu.barrier barrier_id(%barrier3A_42)
    %mul3A_43 = arith.constant 632 : i32
    %mul3A_44 = arith.muli %arg1, %mul3A_43 : i32
    %mul3A_45 = arith.constant 632 : i32
    %mul3A_46 = arith.muli %arg1, %mul3A_45 : i32
    "tpu.region"() ({
      %run_scoped3A = tpu.sem_alloc : memref<!tpu.dma_semaphore, #tpu.memory_space<semaphore_mem>>
      %dma_start3A_47 = arith.constant 0 : i32
      %dma_start3A_48 = tpu.memref_slice %arg7[%arg0, %mul3A_46, %dma_start3A_47] : memref<2x10112x128xf32, #tpu.memory_space<hbm>> -> memref<1x632x128xf32, #tpu.memory_space<hbm>>
      %dma_start3A_49 = tpu.memref_squeeze %dma_start3A_48 : memref<1x632x128xf32, #tpu.memory_space<hbm>> -> memref<632x128xf32, #tpu.memory_space<hbm>>
      %dma_start3A_50 = arith.constant 0 : i32
      %dma_start3A_51 = tpu.memref_slice %arg11[%mul3A_44, %dma_start3A_50] : memref<10112x128xf32, #tpu.memory_space<vmem_shared>> -> memref<632x128xf32, #tpu.memory_space<vmem_shared>>
      tpu.enqueue_dma source(%dma_start3A_51 : memref<632x128xf32, #tpu.memory_space<vmem_shared>>) target(%dma_start3A_49 : memref<632x128xf32, #tpu.memory_space<hbm>>) target_semaphore(%run_scoped3A : memref<!tpu.dma_semaphore, #tpu.memory_space<semaphore_mem>>)
      %dma_wait3A_52 = arith.constant 0 : i32
      %dma_wait3A_53 = tpu.memref_slice %arg7[%arg0, %mul3A_46, %dma_wait3A_52] : memref<2x10112x128xf32, #tpu.memory_space<hbm>> -> memref<1x632x128xf32, #tpu.memory_space<hbm>>
      %dma_wait3A_54 = tpu.memref_squeeze %dma_wait3A_53 : memref<1x632x128xf32, #tpu.memory_space<hbm>> -> memref<632x128xf32, #tpu.memory_space<hbm>>
      %dma_wait3A_55 = arith.constant 0 : i32
      %dma_wait3A_56 = tpu.memref_slice %arg11[%mul3A_44, %dma_wait3A_55] : memref<10112x128xf32, #tpu.memory_space<vmem_shared>> -> memref<632x128xf32, #tpu.memory_space<vmem_shared>>
      tpu.wait_dma2 semaphore(%run_scoped3A : memref<!tpu.dma_semaphore, #tpu.memory_space<semaphore_mem>>) src(%dma_wait3A_56 : memref<632x128xf32, #tpu.memory_space<vmem_shared>>) dst(%dma_wait3A_54 : memref<632x128xf32, #tpu.memory_space<hbm>>)
      tpu.yield
    }) : () -> ()
    return
  }
}

module attributes {stable_mosaic.version = 14 : i64} {
  func.func @_relu_body(%arg0: i32, %arg1: memref<5000x128xf32, #tpu.memory_space<vmem>>, %arg2: memref<5000x128xf32, #tpu.memory_space<vmem>>) attributes {dimension_semantics = [#tpu.dimension_semantics<arbitrary>], iteration_bounds = array<i64: 2>, scalar_prefetch = 0 : i64, scratch_operands = 0 : i64, tpu.core_type = #tpu.core_type<tc>, window_params = [{transform_indices = @transform_0, window_bounds = array<i64: 5000, 128>}, {transform_indices = @transform_1, window_bounds = array<i64: 5000, 128>}]} {
    %get3A = arith.constant 0 : index
    %get3A_0 = arith.constant 0 : index
    %get3A_1 = vector.load %arg1[%get3A, %get3A_0] : memref<5000x128xf32, #tpu.memory_space<vmem>>, vector<5000x128xf32>
    %max3A = arith.constant 0.000000e+00 : f32
    %max3A_2 = vector.broadcast %max3A : f32 to vector<5000x128xf32>
    %max3A_3 = arith.maximumf %get3A_1, %max3A_2 : vector<5000x128xf32>
    %swap3A = arith.constant 0 : index
    %swap3A_4 = arith.constant 0 : index
    %swap3A_5 = vector.load %arg2[%swap3A, %swap3A_4] : memref<5000x128xf32, #tpu.memory_space<vmem>>, vector<5000x128xf32>
    tpu.vector_store %arg2[%swap3A, %swap3A_4], %max3A_3 {strides = array<i32>} : memref<5000x128xf32, #tpu.memory_space<vmem>>, vector<5000x128xf32>,
    return
  }
  func.func @transform_0(%arg0: i32) -> (i32, i32) {
    %c0_i32 = arith.constant 0 : i32
    %c0_i32_0 = arith.constant 0 : i32
    return %arg0, %c0_i32 : i32, i32
  }
  func.func @transform_1(%arg0: i32) -> (i32, i32) {
    %c0_i32 = arith.constant 0 : i32
    %c0_i32_0 = arith.constant 0 : i32
    return %arg0, %c0_i32 : i32, i32
  }
}

module attributes {stable_mosaic.version = 14 : i64} {
  func.func @_mlp1_body(%arg0: i32, %arg1: memref<1x1xf32, #tpu.memory_space<vmem>>, %arg2: memref<5000x128xf32, #tpu.memory_space<vmem>>, %arg3: memref<1x5000x128xf32, #tpu.memory_space<vmem>>, %arg4: memref<1x5000x128xf32, #tpu.memory_space<vmem>>, %arg5: memref<128x256xf32, #tpu.memory_space<vmem>>, %arg6: memref<1x256xf32, #tpu.memory_space<vmem>>, %arg7: memref<256x256xf32, #tpu.memory_space<vmem>>, %arg8: memref<1x256xf32, #tpu.memory_space<vmem>>, %arg9: memref<5000x128xf32, #tpu.memory_space<vmem>>, %arg10: memref<5000x128xf32, #tpu.memory_space<vmem>>) attributes {dimension_semantics = [#tpu.dimension_semantics<arbitrary>], iteration_bounds = array<i64: 2>, scalar_prefetch = 0 : i64, scratch_operands = 0 : i64, tpu.core_type = #tpu.core_type<tc>, window_params = [{pipeline_mode = #tpu.pipeline_mode<synchronous>, transform_indices = @transform_0, window_bounds = array<i64: 1, 1>}, {transform_indices = @transform_1, window_bounds = array<i64: 5000, 128>}, {transform_indices = @transform_2, window_bounds = array<i64: 1, 5000, 128>}, {transform_indices = @transform_3, window_bounds = array<i64: 1, 5000, 128>}, {pipeline_mode = #tpu.pipeline_mode<synchronous>, transform_indices = @transform_4, window_bounds = array<i64: 128, 256>}, {pipeline_mode = #tpu.pipeline_mode<synchronous>, transform_indices = @transform_5, window_bounds = array<i64: 1, 256>}, {pipeline_mode = #tpu.pipeline_mode<synchronous>, transform_indices = @transform_6, window_bounds = array<i64: 256, 256>}, {pipeline_mode = #tpu.pipeline_mode<synchronous>, transform_indices = @transform_7, window_bounds = array<i64: 1, 256>}, {transform_indices = @transform_8, window_bounds = array<i64: 5000, 128>}, {transform_indices = @transform_9, window_bounds = array<i64: 5000, 128>}]} {
    %get3A = arith.constant 0 : index
    %get3A_0 = arith.constant 0 : index
    %get3A_1 = vector.load %arg1[%get3A, %get3A_0] : memref<1x1xf32, #tpu.memory_space<vmem>>, vector<1x1xf32>
    %get3A_2 = vector.extract %get3A_1[0, 0] : f32 from vector<1x1xf32>
    %add3A = arith.constant 1.000000e+00 : f32
    %add3A_3 = arith.addf %add3A, %get3A_2 : f32
    %get3A_4 = arith.constant 0 : index
    %get3A_5 = arith.constant 0 : index
    %get3A_6 = vector.load %arg2[%get3A_4, %get3A_5] : memref<5000x128xf32, #tpu.memory_space<vmem>>, vector<5000x128xf32>
    %mul3A = vector.broadcast %add3A_3 : f32 to vector<5000x128xf32>
    %mul3A_7 = arith.mulf %mul3A, %get3A_6 : vector<5000x128xf32>
    %get3A_8 = arith.constant 0 : index
    %get3A_9 = arith.constant 0 : index
    %get3A_10 = arith.constant 0 : index
    %get3A_11 = vector.load %arg3[%get3A_8, %get3A_9, %get3A_10] : memref<1x5000x128xf32, #tpu.memory_space<vmem>>, vector<1x5000x128xf32>
    %get3A_12 = vector.shape_cast %get3A_11 : vector<1x5000x128xf32> to vector<5000x128xf32>
    %add3A_13 = arith.addf %mul3A_7, %get3A_12 : vector<5000x128xf32>
    %get3A_14 = arith.constant 0 : index
    %get3A_15 = arith.constant 0 : index
    %get3A_16 = arith.constant 0 : index
    %get3A_17 = vector.load %arg4[%get3A_14, %get3A_15, %get3A_16] : memref<1x5000x128xf32, #tpu.memory_space<vmem>>, vector<1x5000x128xf32>
    %get3A_18 = vector.shape_cast %get3A_17 : vector<1x5000x128xf32> to vector<5000x128xf32>
    %add3A_19 = arith.addf %add3A_13, %get3A_18 : vector<5000x128xf32>
    %get3A_20 = arith.constant 0 : index
    %get3A_21 = arith.constant 0 : index
    %get3A_22 = vector.load %arg5[%get3A_20, %get3A_21] : memref<128x256xf32, #tpu.memory_space<vmem>>, vector<128x256xf32>
    %dot_general3A = arith.constant dense<0.000000e+00> : vector<5000x256xf32>
    %dot_general3A_23 = tpu.matmul %add3A_19, %get3A_22, %dot_general3A {dimension_numbers = #tpu.dot_dimension_numbers<[1], [0], [0], [1], [0, 0, 1, 1], [], []>, transpose_lhs_hint = false} : vector<5000x128xf32>, vector<128x256xf32>, vector<5000x256xf32> -> vector<5000x256xf32>
    %get3A_24 = arith.constant 0 : index
    %get3A_25 = arith.constant 0 : index
    %get3A_26 = vector.load %arg6[%get3A_24, %get3A_25] : memref<1x256xf32, #tpu.memory_space<vmem>>, vector<1x256xf32>
    %add3A_27 = vector.broadcast %get3A_26 : vector<1x256xf32> to vector<5000x256xf32>
    %add3A_28 = arith.addf %dot_general3A_23, %add3A_27 : vector<5000x256xf32>
    %max3A = arith.constant 0.000000e+00 : f32
    %max3A_29 = vector.broadcast %max3A : f32 to vector<5000x256xf32>
    %max3A_30 = arith.maximumf %add3A_28, %max3A_29 : vector<5000x256xf32>
    %get3A_31 = arith.constant 0 : index
    %get3A_32 = arith.constant 0 : index
    %get3A_33 = vector.load %arg7[%get3A_31, %get3A_32] : memref<256x256xf32, #tpu.memory_space<vmem>>, vector<256x256xf32>
    %dot_general3A_34 = arith.constant dense<0.000000e+00> : vector<5000x256xf32>
    %dot_general3A_35 = tpu.matmul %max3A_30, %get3A_33, %dot_general3A_34 {dimension_numbers = #tpu.dot_dimension_numbers<[1], [0], [0], [1], [0, 0, 1, 1], [], []>, transpose_lhs_hint = false} : vector<5000x256xf32>, vector<256x256xf32>, vector<5000x256xf32> -> vector<5000x256xf32>
    %get3A_36 = arith.constant 0 : index
    %get3A_37 = arith.constant 0 : index
    %get3A_38 = vector.load %arg8[%get3A_36, %get3A_37] : memref<1x256xf32, #tpu.memory_space<vmem>>, vector<1x256xf32>
    %add3A_39 = vector.broadcast %get3A_38 : vector<1x256xf32> to vector<5000x256xf32>
    %add3A_40 = arith.addf %dot_general3A_35, %add3A_39 : vector<5000x256xf32>
    %max3A_41 = arith.constant 0.000000e+00 : f32
    %max3A_42 = vector.broadcast %max3A_41 : f32 to vector<5000x256xf32>
    %max3A_43 = arith.maximumf %add3A_40, %max3A_42 : vector<5000x256xf32>
    %slice3A = vector.extract_strided_slice %max3A_43 {offsets = [0, 0], sizes = [5000, 128], strides = [1, 1]} : vector<5000x256xf32> to vector<5000x128xf32>
    %swap3A = arith.constant 0 : index
    %swap3A_44 = arith.constant 0 : index
    %swap3A_45 = vector.load %arg9[%swap3A, %swap3A_44] : memref<5000x128xf32, #tpu.memory_space<vmem>>, vector<5000x128xf32>
    tpu.vector_store %arg9[%swap3A, %swap3A_44], %slice3A {strides = array<i32>} : memref<5000x128xf32, #tpu.memory_space<vmem>>, vector<5000x128xf32>,
    %slice3A_46 = vector.extract_strided_slice %max3A_43 {offsets = [0, 128], sizes = [5000, 128], strides = [1, 1]} : vector<5000x256xf32> to vector<5000x128xf32>
    %swap3A_47 = arith.constant 0 : index
    %swap3A_48 = arith.constant 0 : index
    %swap3A_49 = vector.load %arg10[%swap3A_47, %swap3A_48] : memref<5000x128xf32, #tpu.memory_space<vmem>>, vector<5000x128xf32>
    tpu.vector_store %arg10[%swap3A_47, %swap3A_48], %slice3A_46 {strides = array<i32>} : memref<5000x128xf32, #tpu.memory_space<vmem>>, vector<5000x128xf32>,
    return
  }
  func.func @transform_0(%arg0: i32) -> (i32, i32) {
    %c0_i32 = arith.constant 0 : i32
    %c0_i32_0 = arith.constant 0 : i32
    %c0_i32_1 = arith.constant 0 : i32
    return %c0_i32, %c0_i32_0 : i32, i32
  }
  func.func @transform_1(%arg0: i32) -> (i32, i32) {
    %c0_i32 = arith.constant 0 : i32
    %c0_i32_0 = arith.constant 0 : i32
    return %arg0, %c0_i32 : i32, i32
  }
  func.func @transform_2(%arg0: i32) -> (i32, i32, i32) {
    %c0_i32 = arith.constant 0 : i32
    %c0_i32_0 = arith.constant 0 : i32
    %c0_i32_1 = arith.constant 0 : i32
    return %c0_i32, %arg0, %c0_i32_0 : i32, i32, i32
  }
  func.func @transform_3(%arg0: i32) -> (i32, i32, i32) {
    %c1_i32 = arith.constant 1 : i32
    %c0_i32 = arith.constant 0 : i32
    %c0_i32_0 = arith.constant 0 : i32
    return %c1_i32, %arg0, %c0_i32 : i32, i32, i32
  }
  func.func @transform_4(%arg0: i32) -> (i32, i32) {
    %c0_i32 = arith.constant 0 : i32
    %c0_i32_0 = arith.constant 0 : i32
    %c0_i32_1 = arith.constant 0 : i32
    return %c0_i32, %c0_i32_0 : i32, i32
  }
  func.func @transform_5(%arg0: i32) -> (i32, i32) {
    %c0_i32 = arith.constant 0 : i32
    %c0_i32_0 = arith.constant 0 : i32
    %c0_i32_1 = arith.constant 0 : i32
    return %c0_i32, %c0_i32_0 : i32, i32
  }
  func.func @transform_6(%arg0: i32) -> (i32, i32) {
    %c0_i32 = arith.constant 0 : i32
    %c0_i32_0 = arith.constant 0 : i32
    %c0_i32_1 = arith.constant 0 : i32
    return %c0_i32, %c0_i32_0 : i32, i32
  }
  func.func @transform_7(%arg0: i32) -> (i32, i32) {
    %c0_i32 = arith.constant 0 : i32
    %c0_i32_0 = arith.constant 0 : i32
    %c0_i32_1 = arith.constant 0 : i32
    return %c0_i32, %c0_i32_0 : i32, i32
  }
  func.func @transform_8(%arg0: i32) -> (i32, i32) {
    %c0_i32 = arith.constant 0 : i32
    %c0_i32_0 = arith.constant 0 : i32
    return %arg0, %c0_i32 : i32, i32
  }
  func.func @transform_9(%arg0: i32) -> (i32, i32) {
    %c0_i32 = arith.constant 0 : i32
    %c0_i32_0 = arith.constant 0 : i32
    return %arg0, %c0_i32 : i32, i32
  }
}

module attributes {stable_mosaic.version = 14 : i64} {
  func.func @_mlp2_body(%arg0: i32, %arg1: memref<1x1xf32, #tpu.memory_space<vmem>>, %arg2: memref<5000x128xf32, #tpu.memory_space<vmem>>, %arg3: memref<5000x128xf32, #tpu.memory_space<vmem>>, %arg4: memref<1x5000x128xf32, #tpu.memory_space<vmem>>, %arg5: memref<1x5000x128xf32, #tpu.memory_space<vmem>>, %arg6: memref<1x1x5000xi32, #tpu.memory_space<vmem>>, %arg7: memref<256x256xf32, #tpu.memory_space<vmem>>, %arg8: memref<1x256xf32, #tpu.memory_space<vmem>>, %arg9: memref<256x256xf32, #tpu.memory_space<vmem>>, %arg10: memref<1x256xf32, #tpu.memory_space<vmem>>, %arg11: memref<256x128xf32, #tpu.memory_space<vmem>>, %arg12: memref<1x128xf32, #tpu.memory_space<vmem>>, %arg13: memref<128x2xf32, #tpu.memory_space<vmem>>, %arg14: memref<1x2xf32, #tpu.memory_space<vmem>>, %arg15: memref<64x2xf32, #tpu.memory_space<vmem>>, %arg16: memref<64x256xf32, #tpu.memory_space<vmem>>) attributes {dimension_semantics = [#tpu.dimension_semantics<arbitrary>], iteration_bounds = array<i64: 2>, scalar_prefetch = 0 : i64, scratch_operands = 1 : i64, tpu.core_type = #tpu.core_type<tc>, window_params = [{pipeline_mode = #tpu.pipeline_mode<synchronous>, transform_indices = @transform_0, window_bounds = array<i64: 1, 1>}, {transform_indices = @transform_1, window_bounds = array<i64: 5000, 128>}, {transform_indices = @transform_2, window_bounds = array<i64: 5000, 128>}, {transform_indices = @transform_3, window_bounds = array<i64: 1, 5000, 128>}, {transform_indices = @transform_4, window_bounds = array<i64: 1, 5000, 128>}, {transform_indices = @transform_5, window_bounds = array<i64: 1, 1, 5000>}, {pipeline_mode = #tpu.pipeline_mode<synchronous>, transform_indices = @transform_6, window_bounds = array<i64: 256, 256>}, {pipeline_mode = #tpu.pipeline_mode<synchronous>, transform_indices = @transform_7, window_bounds = array<i64: 1, 256>}, {pipeline_mode = #tpu.pipeline_mode<synchronous>, transform_indices = @transform_8, window_bounds = array<i64: 256, 256>}, {pipeline_mode = #tpu.pipeline_mode<synchronous>, transform_indices = @transform_9, window_bounds = array<i64: 1, 256>}, {pipeline_mode = #tpu.pipeline_mode<synchronous>, transform_indices = @transform_10, window_bounds = array<i64: 256, 128>}, {pipeline_mode = #tpu.pipeline_mode<synchronous>, transform_indices = @transform_11, window_bounds = array<i64: 1, 128>}, {pipeline_mode = #tpu.pipeline_mode<synchronous>, transform_indices = @transform_12, window_bounds = array<i64: 128, 2>}, {pipeline_mode = #tpu.pipeline_mode<synchronous>, transform_indices = @transform_13, window_bounds = array<i64: 1, 2>}, {pipeline_mode = #tpu.pipeline_mode<synchronous>, transform_indices = @transform_14, window_bounds = array<i64: 64, 2>}]} {
    %get3A = arith.constant 0 : index
    %get3A_0 = arith.constant 0 : index
    %get3A_1 = vector.load %arg1[%get3A, %get3A_0] : memref<1x1xf32, #tpu.memory_space<vmem>>, vector<1x1xf32>
    %get3A_2 = vector.extract %get3A_1[0, 0] : f32 from vector<1x1xf32>
    %get3A_3 = arith.constant 0 : index
    %get3A_4 = arith.constant 0 : index
    %get3A_5 = vector.load %arg2[%get3A_3, %get3A_4] : memref<5000x128xf32, #tpu.memory_space<vmem>>, vector<5000x128xf32>
    %get3A_6 = arith.constant 0 : index
    %get3A_7 = arith.constant 0 : index
    %get3A_8 = vector.load %arg3[%get3A_6, %get3A_7] : memref<5000x128xf32, #tpu.memory_space<vmem>>, vector<5000x128xf32>
    %concatenate3A = tpu.concatenate %get3A_5, %get3A_8 in 1 : vector<5000x128xf32>, vector<5000x128xf32> -> vector<5000x256xf32>
    %get3A_9 = arith.constant 0 : index
    %get3A_10 = arith.constant 0 : index
    %get3A_11 = arith.constant 0 : index
    %get3A_12 = vector.load %arg4[%get3A_9, %get3A_10, %get3A_11] : memref<1x5000x128xf32, #tpu.memory_space<vmem>>, vector<1x5000x128xf32>
    %get3A_13 = vector.shape_cast %get3A_12 : vector<1x5000x128xf32> to vector<5000x128xf32>
    %get3A_14 = arith.constant 0 : index
    %get3A_15 = arith.constant 0 : index
    %get3A_16 = arith.constant 0 : index
    %get3A_17 = vector.load %arg5[%get3A_14, %get3A_15, %get3A_16] : memref<1x5000x128xf32, #tpu.memory_space<vmem>>, vector<1x5000x128xf32>
    %get3A_18 = vector.shape_cast %get3A_17 : vector<1x5000x128xf32> to vector<5000x128xf32>
    %concatenate3A_19 = tpu.concatenate %get3A_13, %get3A_18 in 1 : vector<5000x128xf32>, vector<5000x128xf32> -> vector<5000x256xf32>
    %add3A = arith.constant 1.000000e+00 : f32
    %add3A_20 = arith.addf %add3A, %get3A_2 : f32
    %mul3A = vector.broadcast %add3A_20 : f32 to vector<5000x256xf32>
    %mul3A_21 = arith.mulf %mul3A, %concatenate3A : vector<5000x256xf32>
    %add3A_22 = arith.addf %mul3A_21, %concatenate3A_19 : vector<5000x256xf32>
    %get3A_23 = arith.constant 0 : index
    %get3A_24 = arith.constant 0 : index
    %get3A_25 = vector.load %arg7[%get3A_23, %get3A_24] : memref<256x256xf32, #tpu.memory_space<vmem>>, vector<256x256xf32>
    %dot_general3A = arith.constant dense<0.000000e+00> : vector<5000x256xf32>
    %dot_general3A_26 = tpu.matmul %add3A_22, %get3A_25, %dot_general3A {dimension_numbers = #tpu.dot_dimension_numbers<[1], [0], [0], [1], [0, 0, 1, 1], [], []>, transpose_lhs_hint = false} : vector<5000x256xf32>, vector<256x256xf32>, vector<5000x256xf32> -> vector<5000x256xf32>
    %get3A_27 = arith.constant 0 : index
    %get3A_28 = arith.constant 0 : index
    %get3A_29 = vector.load %arg8[%get3A_27, %get3A_28] : memref<1x256xf32, #tpu.memory_space<vmem>>, vector<1x256xf32>
    %add3A_30 = vector.broadcast %get3A_29 : vector<1x256xf32> to vector<5000x256xf32>
    %add3A_31 = arith.addf %dot_general3A_26, %add3A_30 : vector<5000x256xf32>
    %max3A = arith.constant 0.000000e+00 : f32
    %max3A_32 = vector.broadcast %max3A : f32 to vector<5000x256xf32>
    %max3A_33 = arith.maximumf %add3A_31, %max3A_32 : vector<5000x256xf32>
    %get3A_34 = arith.constant 0 : index
    %get3A_35 = arith.constant 0 : index
    %get3A_36 = vector.load %arg9[%get3A_34, %get3A_35] : memref<256x256xf32, #tpu.memory_space<vmem>>, vector<256x256xf32>
    %dot_general3A_37 = arith.constant dense<0.000000e+00> : vector<5000x256xf32>
    %dot_general3A_38 = tpu.matmul %max3A_33, %get3A_36, %dot_general3A_37 {dimension_numbers = #tpu.dot_dimension_numbers<[1], [0], [0], [1], [0, 0, 1, 1], [], []>, transpose_lhs_hint = false} : vector<5000x256xf32>, vector<256x256xf32>, vector<5000x256xf32> -> vector<5000x256xf32>
    %get3A_39 = arith.constant 0 : index
    %get3A_40 = arith.constant 0 : index
    %get3A_41 = vector.load %arg10[%get3A_39, %get3A_40] : memref<1x256xf32, #tpu.memory_space<vmem>>, vector<1x256xf32>
    %add3A_42 = vector.broadcast %get3A_41 : vector<1x256xf32> to vector<5000x256xf32>
    %add3A_43 = arith.addf %dot_general3A_38, %add3A_42 : vector<5000x256xf32>
    %get3A_44 = arith.constant 0 : index
    %get3A_45 = arith.constant 0 : index
    %get3A_46 = arith.constant 0 : index
    %get3A_47 = vector.load %arg6[%get3A_44, %get3A_45, %get3A_46] : memref<1x1x5000xi32, #tpu.memory_space<vmem>>, vector<1x1x5000xi32>
    %get3A_48 = vector.shape_cast %get3A_47 : vector<1x1x5000xi32> to vector<5000xi32>
    %iota3A = tpu.iota {dimensions = array<i32: 0>} : vector<64x5000xi32>
    %broadcast_in_dim3A = vector.shape_cast %get3A_48 : vector<5000xi32> to vector<1x5000xi32>
    %eq3A = vector.broadcast %broadcast_in_dim3A : vector<1x5000xi32> to vector<64x5000xi32>
    %eq3A_49 = arith.cmpi eq, %iota3A, %eq3A : vector<64x5000xi32>
    %convert_element_type3A = arith.extui %eq3A_49 : vector<64x5000xi1> to vector<64x5000xi32>
    %convert_element_type3A_50 = arith.sitofp %convert_element_type3A : vector<64x5000xi32> to vector<64x5000xf32>
    %dot_general3A_51 = arith.constant dense<0.000000e+00> : vector<64x256xf32>
    %dot_general3A_52 = tpu.matmul %convert_element_type3A_50, %add3A_43, %dot_general3A_51 {dimension_numbers = #tpu.dot_dimension_numbers<[1], [0], [0], [1], [0, 0, 1, 1], [], []>, transpose_lhs_hint = false} : vector<64x5000xf32>, vector<5000x256xf32>, vector<64x256xf32> -> vector<64x256xf32>
    %eq3A_53 = arith.constant 0 : i32
    %eq3A_54 = arith.cmpi eq, %arg0, %eq3A_53 : i32
    %convert_element_type3A_55 = arith.extui %eq3A_54 : i1 to i32
    %cond3A = arith.constant 0 : i32
    %cond3A_56 = arith.cmpi ne, %convert_element_type3A_55, %cond3A : i32
    scf.if %cond3A_56 {
      %swap3A = arith.constant 0 : index
      %swap3A_66 = arith.constant 0 : index
      %swap3A_67 = vector.load %arg16[%swap3A, %swap3A_66] : memref<64x256xf32, #tpu.memory_space<vmem>>, vector<64x256xf32>
      tpu.vector_store %arg16[%swap3A, %swap3A_66], %dot_general3A_52 {strides = array<i32>} : memref<64x256xf32, #tpu.memory_space<vmem>>, vector<64x256xf32>,
    } else {
    }
    %gt3A = arith.constant 0 : i32
    %gt3A_57 = arith.cmpi sgt, %arg0, %gt3A : i32
    %convert_element_type3A_58 = arith.extui %gt3A_57 : i1 to i32
    %cond3A_59 = arith.constant 0 : i32
    %cond3A_60 = arith.cmpi ne, %convert_element_type3A_58, %cond3A_59 : i32
    scf.if %cond3A_60 {
      %get3A_66 = arith.constant 0 : index
      %get3A_67 = arith.constant 0 : index
      %get3A_68 = vector.load %arg16[%get3A_66, %get3A_67] : memref<64x256xf32, #tpu.memory_space<vmem>>, vector<64x256xf32>
      %add3A_69 = arith.addf %get3A_68, %dot_general3A_52 : vector<64x256xf32>
      %swap3A = arith.constant 0 : index
      %swap3A_70 = arith.constant 0 : index
      %swap3A_71 = vector.load %arg16[%swap3A, %swap3A_70] : memref<64x256xf32, #tpu.memory_space<vmem>>, vector<64x256xf32>
      tpu.vector_store %arg16[%swap3A, %swap3A_70], %add3A_69 {strides = array<i32>} : memref<64x256xf32, #tpu.memory_space<vmem>>, vector<64x256xf32>,
    } else {
    }
    %eq3A_61 = arith.constant 1 : i32
    %eq3A_62 = arith.cmpi eq, %arg0, %eq3A_61 : i32
    %convert_element_type3A_63 = arith.extui %eq3A_62 : i1 to i32
    %cond3A_64 = arith.constant 0 : i32
    %cond3A_65 = arith.cmpi ne, %convert_element_type3A_63, %cond3A_64 : i32
    scf.if %cond3A_65 {
      %get3A_66 = arith.constant 0 : index
      %get3A_67 = arith.constant 0 : index
      %get3A_68 = vector.load %arg16[%get3A_66, %get3A_67] : memref<64x256xf32, #tpu.memory_space<vmem>>, vector<64x256xf32>
      %get3A_69 = arith.constant 0 : index
      %get3A_70 = arith.constant 0 : index
      %get3A_71 = vector.load %arg11[%get3A_69, %get3A_70] : memref<256x128xf32, #tpu.memory_space<vmem>>, vector<256x128xf32>
      %dot_general3A_72 = arith.constant dense<0.000000e+00> : vector<64x128xf32>
      %dot_general3A_73 = tpu.matmul %get3A_68, %get3A_71, %dot_general3A_72 {dimension_numbers = #tpu.dot_dimension_numbers<[1], [0], [0], [1], [0, 0, 1, 1], [], []>, transpose_lhs_hint = false} : vector<64x256xf32>, vector<256x128xf32>, vector<64x128xf32> -> vector<64x128xf32>
      %get3A_74 = arith.constant 0 : index
      %get3A_75 = arith.constant 0 : index
      %get3A_76 = vector.load %arg12[%get3A_74, %get3A_75] : memref<1x128xf32, #tpu.memory_space<vmem>>, vector<1x128xf32>
      %add3A_77 = vector.broadcast %get3A_76 : vector<1x128xf32> to vector<64x128xf32>
      %add3A_78 = arith.addf %dot_general3A_73, %add3A_77 : vector<64x128xf32>
      %max3A_79 = arith.constant 0.000000e+00 : f32
      %max3A_80 = vector.broadcast %max3A_79 : f32 to vector<64x128xf32>
      %max3A_81 = arith.maximumf %add3A_78, %max3A_80 : vector<64x128xf32>
      %get3A_82 = arith.constant 0 : index
      %get3A_83 = arith.constant 0 : index
      %get3A_84 = vector.load %arg13[%get3A_82, %get3A_83] : memref<128x2xf32, #tpu.memory_space<vmem>>, vector<128x2xf32>
      %dot_general3A_85 = arith.constant dense<0.000000e+00> : vector<64x2xf32>
      %dot_general3A_86 = tpu.matmul %max3A_81, %get3A_84, %dot_general3A_85 {dimension_numbers = #tpu.dot_dimension_numbers<[1], [0], [0], [1], [0, 0, 1, 1], [], []>, transpose_lhs_hint = false} : vector<64x128xf32>, vector<128x2xf32>, vector<64x2xf32> -> vector<64x2xf32>
      %get3A_87 = arith.constant 0 : index
      %get3A_88 = arith.constant 0 : index
      %get3A_89 = vector.load %arg14[%get3A_87, %get3A_88] : memref<1x2xf32, #tpu.memory_space<vmem>>, vector<1x2xf32>
      %add3A_90 = vector.broadcast %get3A_89 : vector<1x2xf32> to vector<64x2xf32>
      %add3A_91 = arith.addf %dot_general3A_86, %add3A_90 : vector<64x2xf32>
      %swap3A = arith.constant 0 : index
      %swap3A_92 = arith.constant 0 : index
      %swap3A_93 = vector.load %arg15[%swap3A, %swap3A_92] : memref<64x2xf32, #tpu.memory_space<vmem>>, vector<64x2xf32>
      tpu.vector_store %arg15[%swap3A, %swap3A_92], %add3A_91 {strides = array<i32>} : memref<64x2xf32, #tpu.memory_space<vmem>>, vector<64x2xf32>,
    } else {
    }
    return
  }
  func.func @transform_0(%arg0: i32) -> (i32, i32) {
    %c0_i32 = arith.constant 0 : i32
    %c0_i32_0 = arith.constant 0 : i32
    %c0_i32_1 = arith.constant 0 : i32
    return %c0_i32, %c0_i32_0 : i32, i32
  }
  func.func @transform_1(%arg0: i32) -> (i32, i32) {
    %c0_i32 = arith.constant 0 : i32
    %c0_i32_0 = arith.constant 0 : i32
    return %arg0, %c0_i32 : i32, i32
  }
  func.func @transform_2(%arg0: i32) -> (i32, i32) {
    %c0_i32 = arith.constant 0 : i32
    %c0_i32_0 = arith.constant 0 : i32
    return %arg0, %c0_i32 : i32, i32
  }
  func.func @transform_3(%arg0: i32) -> (i32, i32, i32) {
    %c0_i32 = arith.constant 0 : i32
    %c0_i32_0 = arith.constant 0 : i32
    %c0_i32_1 = arith.constant 0 : i32
    return %c0_i32, %arg0, %c0_i32_0 : i32, i32, i32
  }
  func.func @transform_4(%arg0: i32) -> (i32, i32, i32) {
    %c1_i32 = arith.constant 1 : i32
    %c0_i32 = arith.constant 0 : i32
    %c0_i32_0 = arith.constant 0 : i32
    return %c1_i32, %arg0, %c0_i32 : i32, i32, i32
  }
  func.func @transform_5(%arg0: i32) -> (i32, i32, i32) {
    %c0_i32 = arith.constant 0 : i32
    %c0_i32_0 = arith.constant 0 : i32
    %c0_i32_1 = arith.constant 0 : i32
    return %arg0, %c0_i32, %c0_i32_0 : i32, i32, i32
  }
  func.func @transform_6(%arg0: i32) -> (i32, i32) {
    %c0_i32 = arith.constant 0 : i32
    %c0_i32_0 = arith.constant 0 : i32
    %c0_i32_1 = arith.constant 0 : i32
    return %c0_i32, %c0_i32_0 : i32, i32
  }
  func.func @transform_7(%arg0: i32) -> (i32, i32) {
    %c0_i32 = arith.constant 0 : i32
    %c0_i32_0 = arith.constant 0 : i32
    %c0_i32_1 = arith.constant 0 : i32
    return %c0_i32, %c0_i32_0 : i32, i32
  }
  func.func @transform_8(%arg0: i32) -> (i32, i32) {
    %c0_i32 = arith.constant 0 : i32
    %c0_i32_0 = arith.constant 0 : i32
    %c0_i32_1 = arith.constant 0 : i32
    return %c0_i32, %c0_i32_0 : i32, i32
  }
  func.func @transform_9(%arg0: i32) -> (i32, i32) {
    %c0_i32 = arith.constant 0 : i32
    %c0_i32_0 = arith.constant 0 : i32
    %c0_i32_1 = arith.constant 0 : i32
    return %c0_i32, %c0_i32_0 : i32, i32
  }
  func.func @transform_10(%arg0: i32) -> (i32, i32) {
    %c0_i32 = arith.constant 0 : i32
    %c0_i32_0 = arith.constant 0 : i32
    %c0_i32_1 = arith.constant 0 : i32
    return %c0_i32, %c0_i32_0 : i32, i32
  }
  func.func @transform_11(%arg0: i32) -> (i32, i32) {
    %c0_i32 = arith.constant 0 : i32
    %c0_i32_0 = arith.constant 0 : i32
    %c0_i32_1 = arith.constant 0 : i32
    return %c0_i32, %c0_i32_0 : i32, i32
  }
  func.func @transform_12(%arg0: i32) -> (i32, i32) {
    %c0_i32 = arith.constant 0 : i32
    %c0_i32_0 = arith.constant 0 : i32
    %c0_i32_1 = arith.constant 0 : i32
    return %c0_i32, %c0_i32_0 : i32, i32
  }
  func.func @transform_13(%arg0: i32) -> (i32, i32) {
    %c0_i32 = arith.constant 0 : i32
    %c0_i32_0 = arith.constant 0 : i32
    %c0_i32_1 = arith.constant 0 : i32
    return %c0_i32, %c0_i32_0 : i32, i32
  }
  func.func @transform_14(%arg0: i32) -> (i32, i32) {
    %c0_i32 = arith.constant 0 : i32
    %c0_i32_0 = arith.constant 0 : i32
    %c0_i32_1 = arith.constant 0 : i32
    return %c0_i32, %c0_i32_0 : i32, i32
  }
}

</mosaic_0001>

<sc_bundles>
// kernel: kernel.10.cloned.1.call-start
scs
__scs_entry_jumppad:
0x0: {  	(pc) =	sbr.rel $0x88, $3  }
0x1: {  	(tag) =	ssettag $0x0;
	lr =	simm.s32 $0x1  }
0x2: {  	[smem:$0x3F90] =	sst lr;
	_ =	strace $0xD0000000  }
0x3: {  	_ = 	snop  }
0x4: {  	_ = 	snop  }
0x5: {  	_ = 	snop  }
0x6: {  	_ = 	snop  }
0x7: {  	_ = 	snop  }
__scs_overlays_trampoline_lowered:
0x8: {  	[smem:$0x3F9F] =	sst s0  }
0x9: {  	[smem:$0x3FA0] =	sst s1  }
0xa: {  	[smem:$0x3FA1] =	sst s2  }
0xb: {  	[smem:$0x3FA2] =	sst s3  }
0xc: {  	[smem:$0x3FA3] =	sst s4  }
0xd: {  	[smem:$0x3FA4] =	sst s5  }
0xe: {  	[smem:$0x3FA5] =	sst s6  }
0xf: {  	[smem:$0x3FA6] =	sst s7  }
0x10: {  	[smem:$0x3FA7] =	sst s8  }
0x11: {  	[smem:$0x3FA8] =	sst s9;
	s0 =	simm.s32 @!p0 $0x0  }
0x12: {  	s1 =	sld [smem:$0x3F8E];
	s0 =	simm.s32 @p0 $0x1  }
0x13: {  	[smem:$0x3FA9] =	sst s0;
	s0 =	simm.s32 @!p1 $0x0  }
0x14: {  	s2 =	sld [smem:$0x3F8D];
	s0 =	simm.s32 @p1 $0x1  }
0x15: {  	[smem:$0x3FAA] =	sst s0;
	s0 =	simm.s32 @!p2 $0x0  }
0x16: {  	s3 =	sld [smem:$0x3FDB];
	s0 =	simm.s32 @p2 $0x1  }
0x17: {  	s4 =	simm.s32 $0x1BF5;
	[smem:$0x3FAC] =	sst s0  }
0x18: {  	s0 =	sld [smem:$0x3F8F];
	_ =	swait.ge [sflag:s4], $0x0  }
0x19: {  	s7 =	sld [smem:$0x3F90]  }
0x1a: {  	s8 =	sadd.s32 $0xFFFFE003, lr  }
0x1b: {  	s9 =	sadd.s32 $0xFFFFFEF7, lr;
	s5 =	simm.s32 $0xFFFFFFFF;
	p2 =	slt.u32 s8, $0xFFFFF086  }
0x1c: {  	p1 =	slt.u32 s9, $0xF7A;
	s5 =	simm.s32 @!p2 $0x0  }
0x1d: {  	s5 =	simm.s32 @p1 $0x1;
	p0 =	seq.s32 s7, s2  }
0x1e: {  	s7 =	smul.u32 @!p0 $0xF7A, s2;
	p2 =	seq.s32 @!p0 s5, $0x0  }
0x1f: {  	s9 =	smul.u32 $0xF7A, s1;
	s8 =	simm.s32 @!p0 $0x1BF5;
	p2 =	por !p2, p0  }
0x20: {  	[sflag:s8] =	ssyncset.s32 @!p0 $0xFFFFF086;
	s6 =	sadd.s32 @!p0 s3, s7;
	s7 =	simm.s32 @!p0 $0x108  }
0x21: {  	s3 =	sadd.s32 s3, s9;
	s6 =	sadd.s32 @!p0 $0x88, s6;
	s7 =	simm.s32 @p2 $0x1082  }
0x22: {  	[simem:s7], [sflag:s8] =	dma.local @!p0 [hbm:s6], $0xF7A  }
0x23: {  	s9 =	sor.u32 $0xD0000000, s2;
	s6 =	simm.s32 $0x108;
	_ =	swait.ge @!p0 [sflag:s8], $0x0  }
0x24: {  	s3 =	sadd.s32 $0x88, s3;
	s6 =	simm.s32 @!p1 $0x1082;
	[sflag:s4] =	ssyncset.s32 $0xFFFFF086  }
0x25: {  	[simem:s6], [sflag:s4] =	dma.local [hbm:s3], $0xF7A  }
0x26: {  	[smem:$0x3F90] =	sst s1;
	(tag) =	ssettag s2;
	_ =	strace s9  }
0x27: {  	s1 =	sld [smem:$0x3FA0]  }
0x28: {  	s2 =	sld [smem:$0x3FA1]  }
0x29: {  	s4 =	sld [smem:$0x3FA3]  }
0x2a: {  	p0 =	seq.s32 s5, $0x0;
	s5 =	sld [smem:$0x3FA4]  }
0x2b: {  	s6 =	sld [smem:$0x3FA5]  }
0x2c: {  	s7 =	sld [smem:$0x3FA6]  }
0x2d: {  	s3 =	simm.s32 $0x108;
	s8 =	sld [smem:$0x3FA7]  }
0x2e: {  	s3 =	simm.s32 @!p0 $0x1082;
	s9 =	sld [smem:$0x3FA8]  }
0x2f: {  	lr =	sadd.s32 s0, s3;
	s0 =	sld [smem:$0x3F9F]  }
0x30: {  	s3 =	sld [smem:$0x3FA2]  }
0x31: {  	[smem:$0x3FAB] =	sst s10  }
0x32: {  	s10 =	sld [smem:$0x3FA9];
	_ =	sdelay $0x3  }
0x33: {  	p0 =	seq.s32 s10, $0x1;
	s10 =	sld [smem:$0x3FAB];
	_ =	sdelay $0x3  }
0x34: {  	[smem:$0x3FAB] =	sst s10  }
0x35: {  	s10 =	sld [smem:$0x3FAA];
	_ =	sdelay $0x3  }
0x36: {  	p1 =	seq.s32 s10, $0x1;
	s10 =	sld [smem:$0x3FAB];
	_ =	sdelay $0x3  }
0x37: {  	[smem:$0x3FAB] =	sst s10  }
0x38: {  	s10 =	sld [smem:$0x3FAC]  }
0x39: {  	_ = 	snop;
	(pc) =	sbr.ind lr, $3  }
0x3a: {  	_ = 	snop  }
0x3b: {  	_ = 	snop  }
0x3c: {  	p2 =	seq.s32 s10, $0x1;
	s10 =	sld [smem:$0x3FAB]  }
0x3d: {  	_ =	shalt  }
0x3e: {  	_ =	shalt  }
0x3f: {  	_ =	shalt  }
0x40: {  	_ =	shalt  }
0x41: {  	_ =	shalt  }
0x42: {  	_ =	shalt  }
0x43: {  	_ =	shalt  }
0x44: {  	_ =	shalt  }
0x45: {  	_ =	shalt  }
0x46: {  	_ =	shalt  }
0x47: {  	_ =	shalt  }
0x48: {  	_ =	shalt  }
0x49: {  	_ =	shalt  }
0x4a: {  	_ =	shalt  }
0x4b: {  	_ =	shalt  }
0x4c: {  	_ =	shalt  }
0x4d: {  	_ =	shalt  }
0x4e: {  	_ =	shalt  }
0x4f: {  	_ =	shalt  }
0x50: {  	_ =	shalt  }
0x51: {  	_ =	shalt  }
0x52: {  	_ =	shalt  }
0x53: {  	_ =	shalt  }
0x54: {  	_ =	shalt  }
0x55: {  	_ =	shalt  }
0x56: {  	_ =	shalt  }
0x57: {  	_ =	shalt  }
0x58: {  	_ =	shalt  }
0x59: {  	_ =	shalt  }
0x5a: {  	_ =	shalt  }
0x5b: {  	_ =	shalt  }
0x5c: {  	_ =	shalt  }
0x5d: {  	_ =	shalt  }
0x5e: {  	_ =	shalt  }
0x5f: {  	_ =	shalt  }
0x60: {  	_ =	shalt  }
0x61: {  	_ =	shalt  }
0x62: {  	_ =	shalt  }
0x63: {  	_ =	shalt  }
0x64: {  	_ =	shalt  }
0x65: {  	_ =	shalt  }
0x66: {  	_ =	shalt  }
0x67: {  	_ =	shalt  }
0x68: {  	_ =	shalt  }
0x69: {  	_ =	shalt  }
0x6a: {  	_ =	shalt  }
0x6b: {  	_ =	shalt  }
0x6c: {  	_ =	shalt  }
0x6d: {  	_ =	shalt  }
0x6e: {  	_ =	shalt  }
0x6f: {  	_ =	shalt  }
0x70: {  	_ =	shalt  }
0x71: {  	_ =	shalt  }
0x72: {  	_ =	shalt  }
0x73: {  	_ =	shalt  }
0x74: {  	_ =	shalt  }
0x75: {  	_ =	shalt  }
0x76: {  	_ =	shalt  }
0x77: {  	_ =	shalt  }
0x78: {  	_ =	shalt  }
0x79: {  	_ =	shalt  }
0x7a: {  	_ =	shalt  }
0x7b: {  	_ =	shalt  }
0x7c: {  	_ =	shalt  }
0x7d: {  	_ =	shalt  }
0x7e: {  	_ =	shalt  }
0x7f: {  	_ =	shalt  }
0x80: {  	_ =	shalt  }
0x81: {  	_ =	shalt  }
0x82: {  	_ =	shalt  }
0x83: {  	_ =	shalt  }
0x84: {  	_ =	shalt  }
0x85: {  	_ =	shalt  }
0x86: {  	_ =	shalt  }
0x87: {  	_ =	shalt  }
.Lfunc_end0:
.L_simem_size_0:
called_computation.1_lowered:
.L_overlay_start_0:
0x88: {  	s2 =	sld [smem:$0x3FD9]  }
0x89: {  	s3 =	sld [smem:$0x3FFE];
	_ =	sdelay $0x1  }
0x8a: {  	s1 =	srdreg.scid  }
0x8b: {  	s0 =	sand.u32 $0x1, s1  }
0x8c: {  	s16 =	sshll.u32 s0, $0xA;
	s2 =	sadd.s32 s3, s2  }
0x8d: {  	s2 =	sadd.s32 s2, s16  }
0x8e: {  	[smem:$0x3FB7] =	sst s2  }
0x8f: {  	_ = 	snop  }
0x90: {  	(tm) =	ssettm $0x1  }
0x91: {  	s17 =	sld [smem:$0x3FFB];
	_ =	sdelay $0x3  }
0x92: {  	_ =	strace s17  }
0x93: {  	s2 =	sld [smem:$0x3FFC];
	_ =	sdelay $0x3  }
0x94: {  	_ =	strace s2  }
0x95: {  	s2 =	sld [smem:$0x3FFD];
	_ =	sdelay $0x3  }
0x96: {  	_ =	strace s2  }
0x97: {  	_ =	strace $0x8FFFFFFF  }
0x98: {  	s18 =	sld [smem:$0x3FDB];
	_ =	sdelay $0x1  }
0x99: {  	s19 =	simm.s32 $_scs_section_size  }
0x9a: {  	s4 =	simm.s32 $_size__tile_overlayer_lowered;
	s5 =	simm.s32 $_tile_overlayer_lowered  }
0x9b: {  	s22 =	simm.s32 $0x1BFF;
	s21 =	sshll.u32 s5, $0x1;
	s2 =	sadd.s32 s19, s18  }
0x9c: {  	s6 =	simm.s32 $0x0;
	s20 =	sshll.u32 s4, $0x1;
	s4 =	sadd.s32 s21, s2  }
0x9d: {  	[timem:s6], [sflag:s22] =	dma.local [hbm:s4], s20  }
0x9e: {  	_ =	swait.ge [sflag:s22], s20  }
0x9f: {  	s3 =	ssub.s32 $0x0, s20;
	[sflag:s22] =	ssyncset.done $0x0  }
0xa0: {  	[sflag:s22] =	ssyncadd.s32 s3;
	_ =	sdelay $0x1  }
0xa1: {  	s23 =	simm.s32 $0x1B8B  }
0xa2: {  	_ =	swait.ge [sflag:s23], $0x1  }
0xa3: {  	[sflag:s23] =	ssyncset.done $0x0  }
0xa4: {  	s25 =	simm.s32 $0x1B8E;
	s24 =	sld [smem:$0x3FFE];
	[sflag:s23] =	ssyncadd.s32 $0xFFFFFFFF  }
0xa5: {  	s26 =	simm.s32 $execute0_lowered;
	[smem:$0x3FD2] =	sst s25  }
0xa6: {  	s4 =	sshll.u32 s26, $0x1;
	_ =	strace $0x80000049;
	[dreg:$0x1] =	wrdreg $0xFFFFFFFF  }
0xa7: {  	s28 =	simm.s32 $_size_execute0_lowered;
	s2 =	sadd.s32 s2, s4;
	[dreg:$0x0] =	wrdreg $0x0  }
0xa8: {  	s4 =	sshll.u32 s28, $0x1;
	[dreg:$0x2] =	wrdreg s2  }
0xa9: {  	[dreg:$0x3] =	wrdreg s4  }
0xaa: {  	[dreg:$0x4] =	wrdreg $0xC0  }
0xab: {  	_ =	task [dreg:s6], $0x5FFFF  }
0xac: {  	[dreg:$0x1] =	wrdreg $0xFFFFFFFF  }
0xad: {  	[dreg:$0x0] =	wrdreg $0x60  }
0xae: {  	[dreg:$0x2] =	wrdreg s24  }
0xaf: {  	[dreg:$0x3] =	wrdreg $0xA8000  }
0xb0: {  	[dreg:$0x4] =	wrdreg $0x9  }
0xb1: {  	_ =	task.clear_ibuf [dreg:s6], $0x5FFFF;
	_ =	strace $0x90000049  }
0xb2: {  	s29 =	simm.s32 $0x9;
	_ =	strace $0x8000004B  }
0xb3: {  	_ =	swait.ge [sflag:s29], $0x1  }
0xb4: {  	[sflag:s29] =	ssyncadd.s32 $0xFFFFFFFF  }
0xb5: {  	_ =	strace $0x9000004B  }
0xb6: {  	_ =	sfence  }
0xb7: {  	s30 =	sld [smem:$0x0];
	_ =	sdelay $0x2  }
0xb8: {  	s31 =	sshll.u32 s1, $0xD;
	s1 =	sshrl.u32 s1, $0x2  }
0xb9: {  	s3 =	sand.u32 $0x4000, s31;
	s1 =	sadd.s32 s1, s30  }
0xba: {  	s0 =	sor.u32 s3, s0;
	s1 =	sshll.u32 s1, $0x11  }
0xbb: {  	s0 =	sor.u32 s1, s0  }
0xbc: {  	s0 =	sadd.s32 $0x8F2B, s0  }
0xbd: {  	[sflag:s0] =	ssyncadd.remote.s32 $0x1  }
0xbe: {  	_ =	sfence.sel $0xFFFF  }
0xbf: {  	[dreg:$0x0] =	wrdreg $0xFFFFFFFF;
	(pc) =	sbr.abs _section_cstart, $3  }
0xc0: {  	[dreg:$0x1] =	wrdreg $0xFFFFFFFF  }
0xc1: {  	_ =	task.clear_ibuf [dreg:s6], $0x2FFFF;
	_ =	strace $0x9FFFFFFF  }
0xc2: {  	(tm) =	ssettm $0x7FFFFFFF  }
0xc3: {  	_ =	shalt  }
tec
execute0_lowered:
.L_overlay_start_1:
0x0: {  	(tag) =	ssettag $0x1  }
0x1: {  	s10 =	rddreg [dreg:$0x0]  }
0x2: {  	s1 =	rddreg [dreg:$0x1];
	s2 =	simm.s32 $0x0;
	s3 =	srdreg.scid  }
0x3: {  	s0 =	stileid.u32;
	s18 =	simm.s32 $0x1;
	s19 =	simm.s32 $0x2  }
0x4: {  	s20 =	simm.s32 $0x80;
	s21 =	simm.s32 $0x2800;
	s22 =	simm.s32 $0x6800  }
0x5: {  	s23 =	simm.s32 $0x1380;
	s24 =	simm.s32 $0x2700;
	s25 =	simm.s32 $0x2780  }
0x6: {  	s26 =	simm.s32 $0x0;
	[smem:$0x7FF] =	sst s2;
	s13 =	sand.u32 $0x1, s3  }
0x7: {  	s4 =	sadd.s32 $0x3800, s10;
	s5 =	sadd.s32 $0x41200, s10;
	s11 =	smul.u32 $0x13C00, s0  }
0x8: {  	s6 =	sadd.s32 $0x2AA00, s10;
	s7 =	sadd.s32 $0x34A00, s10;
	s15 =	smul.u32 $0x4F000, s0  }
0x9: {  	s8 =	sadd.s32 $0x3EA00, s10;
	s31 =	sshll.u32 s0, $0x6;
	s9 =	smul.u32 $0x13C000, s13  }
0xa: {  	_ =	strace $0x8000004A;
	s12 =	ssub.s32 $0x2, s13;
	p0 =	seq.s32 s13, $0x1  }
0xb: {  	s14 =	sshrl.u32 s12, $0x1;
	s11 =	sadd.s32 s11, s9;
	s9 =	smul.u32 $0x5000, s0  }
.Ltmp0:
0xc: {  	s30 =	sshrl.u32 s15, $0x2;
	s15 =	simm.s32 $0x1400;
	(pc) =	sbr.rel .LBB2_1-.Ltmp0, $4  }
0xd: {  	s14 =	ssub.s32 s12, s14;
	s17 =	sadd.s32 s30, s1;
	s12 =	sor.u32 $0x1C03, s31  }
0xe: {  	s11 =	sshrl.u32 s11, $0x3;
	s14 =	smax.u32 s14, $0x1;
	s29 =	sshrl.u32 s9, $0x3  }
0xf: {  	s16 =	sadd.s32 s11, s10;
	s10 =	sadd.s32 s6, s29;
	s11 =	sadd.s32 s7, s29  }
0x10: {  	s13 =	sadd.s32 $0x68400, s16;
	s16 =	sshrl.u32 s17, $0x3;
	s17 =	simm.s32 $0x3  }
.LBB2_8:
0x11: {  	s26 =	sadd.s32 $0x1, s26  }
0x12: {  	p1 =	sne.s32 s26, s14  }
.Ltmp1:
0x13: {  	[bflag:$0x0] =	sbarrier.arrive $0xFFFF;
	(pc) =	sbr.rel @!p1 .LBB2_9-.Ltmp1, $4  }
0x14: {  	[hbm:s13], [sflag:s12] =	dma.local [spmem:s16], $0x2780  }
0x15: {  	_ =	swait.ge [sflag:s17], $0x2780  }
0x16: {  	[sflag:s17] =	ssyncset.done $0x0  }
0x17: {  	[sflag:s17] =	ssyncadd.s32 $0xFFFFD880  }
.LBB2_1:
0x18: {  	[tilespmem:s2], [sflag:$0x1] =	stream.linear.gather [hbm4b:s10+s2], $0x1400, $0x38;
	[tilespmem:$0x1E400] =	vst v63  }
0x19: {  	_ = 	snop  }
0x1a: {  	[tilespmem:s15], [sflag:$0x2] =	stream.linear.gather [hbm4b:s11+s2], $0x1400, $0x38;
	[tilespmem:$0x1E400] =	vst v63  }
0x1b: {  	[spmem:s16], [sflag:s12] =	dma.local [hbm:s8], $0x2780  }
0x1c: {  	_ =	swait.ge [sflag:s17], $0x2780  }
0x1d: {  	[sflag:s17] =	ssyncset.done $0x0  }
0x1e: {  	[sflag:s17] =	ssyncadd.s32 $0xFFFFD880  }
0x1f: {  	_ =	swait.ge [sflag:s18], $0x1400  }
0x20: {  	[sflag:s18] =	ssyncset.done $0x0  }
0x21: {  	[sflag:s18] =	ssyncadd.s32 $0xFFFFEC00  }
.Ltmp2:
0x22: {  	_ =	swait.ge [sflag:s19], $0x1400;
	(pc) =	sbr.rel @!p0 .LBB2_2-.Ltmp2, $4  }
0x23: {  	[sflag:s19] =	ssyncset.done $0x0  }
0x24: {  	[sflag:s19] =	ssyncadd.s32 $0xFFFFEC00  }
0x25: {  	[bflag:$0x0] =	sbarrier.arrive $0xFFFF  }
0x26: {  	s28 =	simm.s32 $0x0;
	s29 =	simm.s32 $0x0  }
.LBB2_5:
0x27: {  	p1 =	seq.s32 s29, $0x0  }
0x28: {  	s0 =	smul.u32 @!p1 $0x1400, s29;
	_ =	sdelay $0x1  }
0x29: {  	s0 =	sadd.s32 @!p1 s9, s0  }
0x2a: {  	s0 =	sshrl.u32 @!p1 s0, $0x3  }
0x2b: {  	s28 =	simm.s32 @!p1 $0x0;
	s3 =	sadd.s32 @!p1 s6, s0  }
0x2c: {  	[tilespmem:s28], [sflag:$0x3] =	stream.linear.gather @!p1 [hbm4b:s3+s28], $0x1400, $0x38;
	[tilespmem:$0x1E400] =	vst v63  }
0x2d: {  	s3 =	simm.s32 @!p1 $0x3  }
0x2e: {  	_ =	swait.ge @!p1 [sflag:s3], $0x1400  }
0x2f: {  	[sflag:s3] =	ssyncset.done @!p1 $0x0  }
0x30: {  	s30 =	simm.s32 @!p1 $0x1400;
	s0 =	sadd.s32 @!p1 s7, s0;
	[sflag:s3] =	ssyncadd.s32 @!p1 $0xFFFFEC00  }
0x31: {  	[tilespmem:s30], [sflag:$0x3] =	stream.linear.gather @!p1 [hbm4b:s0+s28], $0x1400, $0x38;
	[tilespmem:$0x1E400] =	vst v63  }
0x32: {  	_ =	swait.ge @!p1 [sflag:s3], $0x1400  }
0x33: {  	[sflag:s3] =	ssyncset.done @!p1 $0x0  }
0x34: {  	s31 =	simm.s32 $0x0;
	[sflag:s3] =	ssyncadd.s32 @!p1 $0xFFFFEC00  }
0x35: {  	[tilespmem:s21], [sflag:$0x1] =	stream.indirect.gather [hbm4b:s5+s20], $0x80, s31, s20, $0xb8;
	[tilespmem:$0x1E400] =	vst v63  }
0x36: {  	s3 =	simm.s32 $0x80  }
0x37: {  	[tilespmem:s22], [sflag:$0x2] =	stream.indirect.gather [hbm4b:s5+s20], $0x80, s3, s20, $0xb8;
	[tilespmem:$0x1E400] =	vst v63  }
0x38: {  	_ =	swait.ge [sflag:s18], $0x4000  }
0x39: {  	[sflag:s18] =	ssyncset.done $0x0  }
0x3a: {  	s31 =	simm.s32 $0x1400;
	[sflag:s18] =	ssyncadd.s32 $0xFFFFC000  }
0x3b: {  	[spmem:s1] =	stream.indirect.scatter.add.f32 [tilespmem:s21], [sflag:$0x3], $0x80, s31, s20, $0xb8;
	[tilespmem:$0x1E400] =	vst v63  }
0x3c: {  	_ =	swait.ge [sflag:s17], $0x4000  }
0x3d: {  	[sflag:s17] =	ssyncset.done $0x0  }
0x3e: {  	s3 =	simm.s32 $0x100;
	[sflag:s17] =	ssyncadd.s32 $0xFFFFC000  }
0x3f: {  	[tilespmem:s21], [sflag:$0x1] =	stream.indirect.gather [hbm4b:s5+s20], $0x80, s3, s20, $0xb8;
	[tilespmem:$0x1E400] =	vst v63  }
0x40: {  	_ =	swait.ge [sflag:s19], $0x4000  }
0x41: {  	[sflag:s19] =	ssyncset.done $0x0  }
0x42: {  	s31 =	simm.s32 $0x1480;
	[sflag:s19] =	ssyncadd.s32 $0xFFFFC000  }
0x43: {  	[spmem:s1] =	stream.indirect.scatter.add.f32 [tilespmem:s22], [sflag:$0x3], $0x80, s31, s20, $0xb8;
	[tilespmem:$0x1E400] =	vst v63  }
0x44: {  	_ =	swait.ge [sflag:s17], $0x4000  }
0x45: {  	s30 =	simm.s32 $0x800;
	s28 =	simm.s32 $0x100;
	[sflag:s17] =	ssyncset.done $0x0  }
.LBB2_6:
0x46: {  	s0 =	sadd.s32 $0x80, s28  }
0x47: {  	[sflag:s17] =	ssyncadd.s32 $0xFFFFC000;
	s3 =	smov.u32 s30;
	s31 =	sadd.s32 $0x400, s30  }
0x48: {  	[tilespmem:s22], [sflag:$0x2] =	stream.indirect.gather [hbm4b:s5+s20], $0x80, s0, s20, $0xb8;
	[tilespmem:$0x1E400] =	vst v63  }
0x49: {  	p1 =	sne.s32 s30, $0x4800;
	_ =	swait.ge [sflag:s18], $0x4000  }
0x4a: {  	[sflag:s18] =	ssyncset.done $0x0  }
0x4b: {  	s0 =	sadd.s32 $0x1400, s28;
	[sflag:s18] =	ssyncadd.s32 $0xFFFFC000  }
0x4c: {  	[spmem:s1] =	stream.indirect.scatter.add.f32 [tilespmem:s21], [sflag:$0x3], $0x80, s0, s20, $0xb8;
	[tilespmem:$0x1E400] =	vst v63  }
0x4d: {  	_ =	swait.ge [sflag:s17], $0x4000  }
0x4e: {  	[sflag:s17] =	ssyncset.done $0x0  }
0x4f: {  	s0 =	sadd.s32 $0x100, s28;
	[sflag:s17] =	ssyncadd.s32 $0xFFFFC000  }
0x50: {  	[tilespmem:s21], [sflag:$0x1] =	stream.indirect.gather [hbm4b:s5+s20], $0x80, s0, s20, $0xb8;
	[tilespmem:$0x1E400] =	vst v63  }
0x51: {  	_ =	swait.ge [sflag:s19], $0x4000  }
.Ltmp3:
0x52: {  	[sflag:s19] =	ssyncset.done $0x0;
	(pc) =	sbr.rel @p1 .LBB2_6-.Ltmp3, $4  }
0x53: {  	s0 =	sadd.s32 $0x1480, s28;
	[sflag:s19] =	ssyncadd.s32 $0xFFFFC000  }
0x54: {  	[spmem:s1] =	stream.indirect.scatter.add.f32 [tilespmem:s22], [sflag:$0x3], $0x80, s0, s20, $0xb8;
	[tilespmem:$0x1E400] =	vst v63  }
0x55: {  	_ =	swait.ge [sflag:s17], $0x4000  }
0x56: {  	s30 =	smov.u32 s31;
	s28 =	sshra.s32 s3, $0x2;
	[sflag:s17] =	ssyncset.done $0x0  }
0x57: {  	s0 =	sadd.s32 $0x80, s28;
	[sflag:s17] =	ssyncadd.s32 $0xFFFFC000  }
0x58: {  	[tilespmem:s22], [sflag:$0x2] =	stream.indirect.gather [hbm4b:s5+s20], $0x80, s0, s20, $0xb8;
	[tilespmem:$0x1E400] =	vst v63  }
0x59: {  	_ =	swait.ge [sflag:s18], $0x4000  }
0x5a: {  	[sflag:s18] =	ssyncset.done $0x0  }
0x5b: {  	s3 =	sadd.s32 $0x1400, s28;
	[sflag:s18] =	ssyncadd.s32 $0xFFFFC000  }
0x5c: {  	[spmem:s1] =	stream.indirect.scatter.add.f32 [tilespmem:s21], [sflag:$0x3], $0x80, s3, s20, $0xb8;
	[tilespmem:$0x1E400] =	vst v63  }
0x5d: {  	_ =	swait.ge [sflag:s17], $0x4000  }
0x5e: {  	[sflag:s17] =	ssyncset.done $0x0  }
0x5f: {  	s30 =	sadd.s32 $0x100, s28;
	[sflag:s17] =	ssyncadd.s32 $0xFFFFC000  }
0x60: {  	[tilespmem:s21], [sflag:$0x1] =	stream.indirect.gather [hbm4b:s5+s20], $0x80, s30, s20, $0xb8;
	[tilespmem:$0x1E400] =	vst v63  }
0x61: {  	_ =	swait.ge [sflag:s19], $0x4000  }
0x62: {  	[sflag:s19] =	ssyncset.done $0x0  }
0x63: {  	s31 =	sadd.s32 $0x1480, s28;
	[sflag:s19] =	ssyncadd.s32 $0xFFFFC000  }
0x64: {  	[spmem:s1] =	stream.indirect.scatter.add.f32 [tilespmem:s22], [sflag:$0x3], $0x80, s31, s20, $0xb8;
	[tilespmem:$0x1E400] =	vst v63  }
0x65: {  	_ =	swait.ge [sflag:s17], $0x4000  }
0x66: {  	[sflag:s17] =	ssyncset.done $0x0  }
0x67: {  	[sflag:s17] =	ssyncadd.s32 $0xFFFFC000  }
0x68: {  	[tilespmem:s22], [sflag:$0x2] =	stream.indirect.gather [hbm4b:s5+s20], $0x80, s23, s20, $0xb8;
	[tilespmem:$0x1E400] =	vst v63  }
0x69: {  	_ =	swait.ge [sflag:s18], $0x4000  }
0x6a: {  	[sflag:s18] =	ssyncset.done $0x0  }
0x6b: {  	[sflag:s18] =	ssyncadd.s32 $0xFFFFC000  }
0x6c: {  	[spmem:s1] =	stream.indirect.scatter.add.f32 [tilespmem:s21], [sflag:$0x3], $0x80, s24, s20, $0xb8;
	[tilespmem:$0x1E400] =	vst v63  }
0x6d: {  	_ =	swait.ge [sflag:s17], $0x4000  }
0x6e: {  	[sflag:s17] =	ssyncset.done $0x0  }
0x6f: {  	[sflag:s17] =	ssyncadd.s32 $0xFFFFC000  }
0x70: {  	_ =	swait.ge [sflag:s19], $0x4000  }
0x71: {  	s29 =	sadd.s32 $0x1, s29;
	[sflag:s19] =	ssyncset.done $0x0  }
0x72: {  	p1 =	sne.s32 s29, $0x4;
	[sflag:s19] =	ssyncadd.s32 $0xFFFFC000  }
0x73: {  	[spmem:s1] =	stream.indirect.scatter.add.f32 [tilespmem:s22], [sflag:$0x3], $0x80, s25, s20, $0xb8;
	[tilespmem:$0x1E400] =	vst v63  }
.Ltmp4:
0x74: {  	_ = 	snop;
	(pc) =	sbr.rel @p1 .LBB2_5-.Ltmp4, $4  }
.Ltmp5:
0x75: {  	_ = 	snop;
	(pc) =	sbr.rel @!p1 .LBB2_8-.Ltmp5, $4  }
0x76: {  	_ =	swait.ge [sflag:s17], $0x4000  }
0x77: {  	[sflag:s17] =	ssyncset.done $0x0  }
0x78: {  	[sflag:s17] =	ssyncadd.s32 $0xFFFFC000  }
0x79: {  	_ = 	snop  }
.LBB2_2:
0x7a: {  	p1 =	seq.s32 s28, $0x0  }
0x7b: {  	s29 =	smul.u32 @!p1 $0x1400, s28;
	_ =	sdelay $0x1  }
0x7c: {  	s29 =	sadd.s32 @!p1 s9, s29  }
0x7d: {  	s29 =	sshrl.u32 @!p1 s29, $0x3  }
0x7e: {  	s31 =	simm.s32 @!p1 $0x0;
	s30 =	sadd.s32 @!p1 s6, s29  }
0x7f: {  	[tilespmem:s31], [sflag:$0x3] =	stream.linear.gather @!p1 [hbm4b:s30+s31], $0x1400, $0x38;
	[tilespmem:$0x1E400] =	vst v63  }
0x80: {  	s30 =	simm.s32 @!p1 $0x3  }
0x81: {  	_ =	swait.ge @!p1 [sflag:s30], $0x1400  }
0x82: {  	[sflag:s30] =	ssyncset.done @!p1 $0x0  }
0x83: {  	s0 =	simm.s32 @!p1 $0x1400;
	s29 =	sadd.s32 @!p1 s7, s29;
	[sflag:s30] =	ssyncadd.s32 @!p1 $0xFFFFEC00  }
0x84: {  	[tilespmem:s0], [sflag:$0x3] =	stream.linear.gather @!p1 [hbm4b:s29+s31], $0x1400, $0x38;
	[tilespmem:$0x1E400] =	vst v63  }
0x85: {  	_ =	swait.ge @!p1 [sflag:s30], $0x1400  }
0x86: {  	[sflag:s30] =	ssyncset.done @!p1 $0x0  }
0x87: {  	s31 =	simm.s32 $0x0;
	[sflag:s30] =	ssyncadd.s32 @!p1 $0xFFFFEC00  }
0x88: {  	[tilespmem:s21], [sflag:$0x1] =	stream.indirect.gather [hbm4b:s4+s20], $0x80, s31, s20, $0xb8;
	[tilespmem:$0x1E400] =	vst v63  }
0x89: {  	s3 =	simm.s32 $0x80  }
0x8a: {  	[tilespmem:s22], [sflag:$0x2] =	stream.indirect.gather [hbm4b:s4+s20], $0x80, s3, s20, $0xb8;
	[tilespmem:$0x1E400] =	vst v63  }
0x8b: {  	_ =	swait.ge [sflag:s18], $0x4000  }
0x8c: {  	[sflag:s18] =	ssyncset.done $0x0  }
0x8d: {  	s31 =	simm.s32 $0x1400;
	[sflag:s18] =	ssyncadd.s32 $0xFFFFC000  }
0x8e: {  	[spmem:s1] =	stream.indirect.scatter.add.f32 [tilespmem:s21], [sflag:$0x3], $0x80, s31, s20, $0xb8;
	[tilespmem:$0x1E400] =	vst v63  }
0x8f: {  	_ =	swait.ge [sflag:s17], $0x4000  }
0x90: {  	[sflag:s17] =	ssyncset.done $0x0  }
0x91: {  	s3 =	simm.s32 $0x100;
	[sflag:s17] =	ssyncadd.s32 $0xFFFFC000  }
0x92: {  	[tilespmem:s21], [sflag:$0x1] =	stream.indirect.gather [hbm4b:s4+s20], $0x80, s3, s20, $0xb8;
	[tilespmem:$0x1E400] =	vst v63  }
0x93: {  	_ =	swait.ge [sflag:s19], $0x4000  }
0x94: {  	[sflag:s19] =	ssyncset.done $0x0  }
0x95: {  	s31 =	simm.s32 $0x1480;
	[sflag:s19] =	ssyncadd.s32 $0xFFFFC000  }
0x96: {  	[spmem:s1] =	stream.indirect.scatter.add.f32 [tilespmem:s22], [sflag:$0x3], $0x80, s31, s20, $0xb8;
	[tilespmem:$0x1E400] =	vst v63  }
0x97: {  	_ =	swait.ge [sflag:s17], $0x4000  }
0x98: {  	s29 =	simm.s32 $0x100;
	s30 =	simm.s32 $0x800;
	[sflag:s17] =	ssyncset.done $0x0  }
.LBB2_3:
0x99: {  	s0 =	sadd.s32 $0x80, s29  }
0x9a: {  	[sflag:s17] =	ssyncadd.s32 $0xFFFFC000;
	s31 =	smov.u32 s30;
	s3 =	sadd.s32 $0x400, s30  }
0x9b: {  	[tilespmem:s22], [sflag:$0x2] =	stream.indirect.gather [hbm4b:s4+s20], $0x80, s0, s20, $0xb8;
	[tilespmem:$0x1E400] =	vst v63  }
0x9c: {  	p1 =	sne.s32 s30, $0x4800;
	_ =	swait.ge [sflag:s18], $0x4000  }
0x9d: {  	[sflag:s18] =	ssyncset.done $0x0  }
0x9e: {  	s0 =	sadd.s32 $0x1400, s29;
	[sflag:s18] =	ssyncadd.s32 $0xFFFFC000  }
0x9f: {  	[spmem:s1] =	stream.indirect.scatter.add.f32 [tilespmem:s21], [sflag:$0x3], $0x80, s0, s20, $0xb8;
	[tilespmem:$0x1E400] =	vst v63  }
0xa0: {  	_ =	swait.ge [sflag:s17], $0x4000  }
0xa1: {  	[sflag:s17] =	ssyncset.done $0x0  }
0xa2: {  	s0 =	sadd.s32 $0x100, s29;
	[sflag:s17] =	ssyncadd.s32 $0xFFFFC000  }
0xa3: {  	[tilespmem:s21], [sflag:$0x1] =	stream.indirect.gather [hbm4b:s4+s20], $0x80, s0, s20, $0xb8;
	[tilespmem:$0x1E400] =	vst v63  }
0xa4: {  	_ =	swait.ge [sflag:s19], $0x4000  }
.Ltmp6:
0xa5: {  	[sflag:s19] =	ssyncset.done $0x0;
	(pc) =	sbr.rel @p1 .LBB2_3-.Ltmp6, $4  }
0xa6: {  	s0 =	sadd.s32 $0x1480, s29;
	[sflag:s19] =	ssyncadd.s32 $0xFFFFC000  }
0xa7: {  	[spmem:s1] =	stream.indirect.scatter.add.f32 [tilespmem:s22], [sflag:$0x3], $0x80, s0, s20, $0xb8;
	[tilespmem:$0x1E400] =	vst v63  }
0xa8: {  	_ =	swait.ge [sflag:s17], $0x4000  }
0xa9: {  	s30 =	smov.u32 s3;
	s29 =	sshra.s32 s31, $0x2;
	[sflag:s17] =	ssyncset.done $0x0  }
0xaa: {  	s0 =	sadd.s32 $0x80, s29;
	[sflag:s17] =	ssyncadd.s32 $0xFFFFC000  }
0xab: {  	[tilespmem:s22], [sflag:$0x2] =	stream.indirect.gather [hbm4b:s4+s20], $0x80, s0, s20, $0xb8;
	[tilespmem:$0x1E400] =	vst v63  }
0xac: {  	_ =	swait.ge [sflag:s18], $0x4000  }
0xad: {  	[sflag:s18] =	ssyncset.done $0x0  }
0xae: {  	s3 =	sadd.s32 $0x1400, s29;
	[sflag:s18] =	ssyncadd.s32 $0xFFFFC000  }
0xaf: {  	[spmem:s1] =	stream.indirect.scatter.add.f32 [tilespmem:s21], [sflag:$0x3], $0x80, s3, s20, $0xb8;
	[tilespmem:$0x1E400] =	vst v63  }
0xb0: {  	_ =	swait.ge [sflag:s17], $0x4000  }
0xb1: {  	[sflag:s17] =	ssyncset.done $0x0  }
0xb2: {  	s30 =	sadd.s32 $0x100, s29;
	[sflag:s17] =	ssyncadd.s32 $0xFFFFC000  }
0xb3: {  	[tilespmem:s21], [sflag:$0x1] =	stream.indirect.gather [hbm4b:s4+s20], $0x80, s30, s20, $0xb8;
	[tilespmem:$0x1E400] =	vst v63  }
0xb4: {  	_ =	swait.ge [sflag:s19], $0x4000  }
0xb5: {  	[sflag:s19] =	ssyncset.done $0x0  }
0xb6: {  	s31 =	sadd.s32 $0x1480, s29;
	[sflag:s19] =	ssyncadd.s32 $0xFFFFC000  }
0xb7: {  	[spmem:s1] =	stream.indirect.scatter.add.f32 [tilespmem:s22], [sflag:$0x3], $0x80, s31, s20, $0xb8;
	[tilespmem:$0x1E400] =	vst v63  }
0xb8: {  	_ =	swait.ge [sflag:s17], $0x4000  }
0xb9: {  	[sflag:s17] =	ssyncset.done $0x0  }
0xba: {  	[sflag:s17] =	ssyncadd.s32 $0xFFFFC000  }
0xbb: {  	[tilespmem:s22], [sflag:$0x2] =	stream.indirect.gather [hbm4b:s4+s20], $0x80, s23, s20, $0xb8;
	[tilespmem:$0x1E400] =	vst v63  }
0xbc: {  	_ =	swait.ge [sflag:s18], $0x4000  }
0xbd: {  	[sflag:s18] =	ssyncset.done $0x0  }
0xbe: {  	[sflag:s18] =	ssyncadd.s32 $0xFFFFC000  }
0xbf: {  	[spmem:s1] =	stream.indirect.scatter.add.f32 [tilespmem:s21], [sflag:$0x3], $0x80, s24, s20, $0xb8;
	[tilespmem:$0x1E400] =	vst v63  }
0xc0: {  	_ =	swait.ge [sflag:s17], $0x4000  }
0xc1: {  	[sflag:s17] =	ssyncset.done $0x0  }
0xc2: {  	[sflag:s17] =	ssyncadd.s32 $0xFFFFC000  }
0xc3: {  	_ =	swait.ge [sflag:s19], $0x4000  }
0xc4: {  	s28 =	sadd.s32 $0x1, s28;
	[sflag:s19] =	ssyncset.done $0x0  }
0xc5: {  	p1 =	seq.s32 s28, $0x4;
	[sflag:s19] =	ssyncadd.s32 $0xFFFFC000  }
0xc6: {  	[spmem:s1] =	stream.indirect.scatter.add.f32 [tilespmem:s22], [sflag:$0x3], $0x80, s25, s20, $0xb8;
	[tilespmem:$0x1E400] =	vst v63  }
.Ltmp7:
0xc7: {  	_ = 	snop;
	(pc) =	sbr.rel @!p1 .LBB2_2-.Ltmp7, $4  }
.Ltmp8:
0xc8: {  	_ = 	snop;
	(pc) =	sbr.rel @p1 .LBB2_8-.Ltmp8, $4  }
0xc9: {  	_ =	swait.ge [sflag:s17], $0x4000  }
0xca: {  	[sflag:s17] =	ssyncset.done $0x0  }
0xcb: {  	[sflag:s17] =	ssyncadd.s32 $0xFFFFC000  }
0xcc: {  	_ = 	snop  }
.LBB2_9:
0xcd: {  	_ =	sfence.sel $0x180000  }
0xce: {  	[bflag:$0x0] =	sbarrier.arrive $0xFFFF  }
0xcf: {  	_ =	strace $0x9000004A  }
0xd0: {  	s0 =	stileid.u32;
	[bflag:$0x2] =	sbarrier.arrive $0xFFFF  }
0xd1: {  	p0 =	sne.s32 s0, $0x0;
	s0 =	rddreg [dreg:$0x2]  }
0xd2: {  	s0 =	sadd.s32 @!p0 $0x100000, s0  }
0xd3: {  	[sflag:s0] =	ssyncadd.tile.s32 @!p0 $0x1;
	_ =	shalt  }
.Lfunc_end2:
_tile_overlayer_lowered:
.L_overlay_start_2:
0xd4: {  	(tag) =	ssettag $0x2  }
0xd5: {  	s0 =	rddreg [dreg:$0x0];
	s2 =	stileid.u32  }
0xd6: {  	s1 =	rddreg [dreg:$0x1];
	p0 =	sne.s32 s2, $0x0  }
0xd7: {  	s3 =	rddreg [dreg:$0x2];
	[bflag:$0x3] =	sbarrier.arrive $0xFFFF;
	s2 =	simm.s32 @!p0 $0x1C03  }
0xd8: {  	[timem:s3], [sflag:s2] =	dma.local @!p0 [hbm:s0], s1  }
0xd9: {  	s0 =	simm.s32 @!p0 $0x3  }
0xda: {  	_ =	swait.ge @!p0 [sflag:s0], s1  }
0xdb: {  	s1 =	ssub.s32 @!p0 $0x0, s1;
	[sflag:s0] =	ssyncset.done @!p0 $0x0  }
0xdc: {  	[sflag:s0] =	ssyncadd.s32 @!p0 s1  }
0xdd: {  	[bflag:$0x3] =	sbarrier.arrive $0xFFFF  }
0xde: {  	_ =	shalt  }

// kernel: kernel.7.cloned.1.call-start
scs
__scs_entry_jumppad:
0x0: {  	(pc) =	sbr.rel $0x88, $3  }
0x1: {  	(tag) =	ssettag $0x0;
	lr =	simm.s32 $0x1  }
0x2: {  	[smem:$0x3F90] =	sst lr;
	_ =	strace $0xD0000000  }
0x3: {  	_ = 	snop  }
0x4: {  	_ = 	snop  }
0x5: {  	_ = 	snop  }
0x6: {  	_ = 	snop  }
0x7: {  	_ = 	snop  }
__scs_overlays_trampoline_lowered:
0x8: {  	[smem:$0x3F9F] =	sst s0  }
0x9: {  	[smem:$0x3FA0] =	sst s1  }
0xa: {  	[smem:$0x3FA1] =	sst s2  }
0xb: {  	[smem:$0x3FA2] =	sst s3  }
0xc: {  	[smem:$0x3FA3] =	sst s4  }
0xd: {  	[smem:$0x3FA4] =	sst s5  }
0xe: {  	[smem:$0x3FA5] =	sst s6  }
0xf: {  	[smem:$0x3FA6] =	sst s7  }
0x10: {  	[smem:$0x3FA7] =	sst s8  }
0x11: {  	[smem:$0x3FA8] =	sst s9;
	s0 =	simm.s32 @!p0 $0x0  }
0x12: {  	s1 =	sld [smem:$0x3F8E];
	s0 =	simm.s32 @p0 $0x1  }
0x13: {  	[smem:$0x3FA9] =	sst s0;
	s0 =	simm.s32 @!p1 $0x0  }
0x14: {  	s2 =	sld [smem:$0x3F8D];
	s0 =	simm.s32 @p1 $0x1  }
0x15: {  	[smem:$0x3FAA] =	sst s0;
	s0 =	simm.s32 @!p2 $0x0  }
0x16: {  	s3 =	sld [smem:$0x3FDB];
	s0 =	simm.s32 @p2 $0x1  }
0x17: {  	s4 =	simm.s32 $0x1BF5;
	[smem:$0x3FAC] =	sst s0  }
0x18: {  	s0 =	sld [smem:$0x3F8F];
	_ =	swait.ge [sflag:s4], $0x0  }
0x19: {  	s7 =	sld [smem:$0x3F90]  }
0x1a: {  	s8 =	sadd.s32 $0xFFFFE003, lr  }
0x1b: {  	s9 =	sadd.s32 $0xFFFFFEF7, lr;
	s5 =	simm.s32 $0xFFFFFFFF;
	p2 =	slt.u32 s8, $0xFFFFF086  }
0x1c: {  	p1 =	slt.u32 s9, $0xF7A;
	s5 =	simm.s32 @!p2 $0x0  }
0x1d: {  	s5 =	simm.s32 @p1 $0x1;
	p0 =	seq.s32 s7, s2  }
0x1e: {  	s7 =	smul.u32 @!p0 $0xF7A, s2;
	p2 =	seq.s32 @!p0 s5, $0x0  }
0x1f: {  	s9 =	smul.u32 $0xF7A, s1;
	s8 =	simm.s32 @!p0 $0x1BF5;
	p2 =	por !p2, p0  }
0x20: {  	[sflag:s8] =	ssyncset.s32 @!p0 $0xFFFFF086;
	s6 =	sadd.s32 @!p0 s3, s7;
	s7 =	simm.s32 @!p0 $0x108  }
0x21: {  	s3 =	sadd.s32 s3, s9;
	s6 =	sadd.s32 @!p0 $0x88, s6;
	s7 =	simm.s32 @p2 $0x1082  }
0x22: {  	[simem:s7], [sflag:s8] =	dma.local @!p0 [hbm:s6], $0xF7A  }
0x23: {  	s9 =	sor.u32 $0xD0000000, s2;
	s6 =	simm.s32 $0x108;
	_ =	swait.ge @!p0 [sflag:s8], $0x0  }
0x24: {  	s3 =	sadd.s32 $0x88, s3;
	s6 =	simm.s32 @!p1 $0x1082;
	[sflag:s4] =	ssyncset.s32 $0xFFFFF086  }
0x25: {  	[simem:s6], [sflag:s4] =	dma.local [hbm:s3], $0xF7A  }
0x26: {  	[smem:$0x3F90] =	sst s1;
	(tag) =	ssettag s2;
	_ =	strace s9  }
0x27: {  	s1 =	sld [smem:$0x3FA0]  }
0x28: {  	s2 =	sld [smem:$0x3FA1]  }
0x29: {  	s4 =	sld [smem:$0x3FA3]  }
0x2a: {  	p0 =	seq.s32 s5, $0x0;
	s5 =	sld [smem:$0x3FA4]  }
0x2b: {  	s6 =	sld [smem:$0x3FA5]  }
0x2c: {  	s7 =	sld [smem:$0x3FA6]  }
0x2d: {  	s3 =	simm.s32 $0x108;
	s8 =	sld [smem:$0x3FA7]  }
0x2e: {  	s3 =	simm.s32 @!p0 $0x1082;
	s9 =	sld [smem:$0x3FA8]  }
0x2f: {  	lr =	sadd.s32 s0, s3;
	s0 =	sld [smem:$0x3F9F]  }
0x30: {  	s3 =	sld [smem:$0x3FA2]  }
0x31: {  	[smem:$0x3FAB] =	sst s10  }
0x32: {  	s10 =	sld [smem:$0x3FA9];
	_ =	sdelay $0x3  }
0x33: {  	p0 =	seq.s32 s10, $0x1;
	s10 =	sld [smem:$0x3FAB];
	_ =	sdelay $0x3  }
0x34: {  	[smem:$0x3FAB] =	sst s10  }
0x35: {  	s10 =	sld [smem:$0x3FAA];
	_ =	sdelay $0x3  }
0x36: {  	p1 =	seq.s32 s10, $0x1;
	s10 =	sld [smem:$0x3FAB];
	_ =	sdelay $0x3  }
0x37: {  	[smem:$0x3FAB] =	sst s10  }
0x38: {  	s10 =	sld [smem:$0x3FAC]  }
0x39: {  	_ = 	snop;
	(pc) =	sbr.ind lr, $3  }
0x3a: {  	_ = 	snop  }
0x3b: {  	_ = 	snop  }
0x3c: {  	p2 =	seq.s32 s10, $0x1;
	s10 =	sld [smem:$0x3FAB]  }
0x3d: {  	_ =	shalt  }
0x3e: {  	_ =	shalt  }
0x3f: {  	_ =	shalt  }
0x40: {  	_ =	shalt  }
0x41: {  	_ =	shalt  }
0x42: {  	_ =	shalt  }
0x43: {  	_ =	shalt  }
0x44: {  	_ =	shalt  }
0x45: {  	_ =	shalt  }
0x46: {  	_ =	shalt  }
0x47: {  	_ =	shalt  }
0x48: {  	_ =	shalt  }
0x49: {  	_ =	shalt  }
0x4a: {  	_ =	shalt  }
0x4b: {  	_ =	shalt  }
0x4c: {  	_ =	shalt  }
0x4d: {  	_ =	shalt  }
0x4e: {  	_ =	shalt  }
0x4f: {  	_ =	shalt  }
0x50: {  	_ =	shalt  }
0x51: {  	_ =	shalt  }
0x52: {  	_ =	shalt  }
0x53: {  	_ =	shalt  }
0x54: {  	_ =	shalt  }
0x55: {  	_ =	shalt  }
0x56: {  	_ =	shalt  }
0x57: {  	_ =	shalt  }
0x58: {  	_ =	shalt  }
0x59: {  	_ =	shalt  }
0x5a: {  	_ =	shalt  }
0x5b: {  	_ =	shalt  }
0x5c: {  	_ =	shalt  }
0x5d: {  	_ =	shalt  }
0x5e: {  	_ =	shalt  }
0x5f: {  	_ =	shalt  }
0x60: {  	_ =	shalt  }
0x61: {  	_ =	shalt  }
0x62: {  	_ =	shalt  }
0x63: {  	_ =	shalt  }
0x64: {  	_ =	shalt  }
0x65: {  	_ =	shalt  }
0x66: {  	_ =	shalt  }
0x67: {  	_ =	shalt  }
0x68: {  	_ =	shalt  }
0x69: {  	_ =	shalt  }
0x6a: {  	_ =	shalt  }
0x6b: {  	_ =	shalt  }
0x6c: {  	_ =	shalt  }
0x6d: {  	_ =	shalt  }
0x6e: {  	_ =	shalt  }
0x6f: {  	_ =	shalt  }
0x70: {  	_ =	shalt  }
0x71: {  	_ =	shalt  }
0x72: {  	_ =	shalt  }
0x73: {  	_ =	shalt  }
0x74: {  	_ =	shalt  }
0x75: {  	_ =	shalt  }
0x76: {  	_ =	shalt  }
0x77: {  	_ =	shalt  }
0x78: {  	_ =	shalt  }
0x79: {  	_ =	shalt  }
0x7a: {  	_ =	shalt  }
0x7b: {  	_ =	shalt  }
0x7c: {  	_ =	shalt  }
0x7d: {  	_ =	shalt  }
0x7e: {  	_ =	shalt  }
0x7f: {  	_ =	shalt  }
0x80: {  	_ =	shalt  }
0x81: {  	_ =	shalt  }
0x82: {  	_ =	shalt  }
0x83: {  	_ =	shalt  }
0x84: {  	_ =	shalt  }
0x85: {  	_ =	shalt  }
0x86: {  	_ =	shalt  }
0x87: {  	_ =	shalt  }
.Lfunc_end0:
.L_simem_size_0:
called_computation_lowered:
.L_overlay_start_0:
0x88: {  	s2 =	sld [smem:$0x3FD9]  }
0x89: {  	s3 =	sld [smem:$0x3FFE];
	_ =	sdelay $0x1  }
0x8a: {  	s1 =	srdreg.scid  }
0x8b: {  	s0 =	sand.u32 $0x1, s1  }
0x8c: {  	s16 =	sshll.u32 s0, $0xA;
	s2 =	sadd.s32 s3, s2  }
0x8d: {  	s2 =	sadd.s32 s2, s16  }
0x8e: {  	[smem:$0x3FB7] =	sst s2  }
0x8f: {  	_ = 	snop  }
0x90: {  	(tm) =	ssettm $0x1  }
0x91: {  	s17 =	sld [smem:$0x3FFB];
	_ =	sdelay $0x3  }
0x92: {  	_ =	strace s17  }
0x93: {  	s2 =	sld [smem:$0x3FFC];
	_ =	sdelay $0x3  }
0x94: {  	_ =	strace s2  }
0x95: {  	s2 =	sld [smem:$0x3FFD];
	_ =	sdelay $0x3  }
0x96: {  	_ =	strace s2  }
0x97: {  	_ =	strace $0x8FFFFFFF  }
0x98: {  	s18 =	sld [smem:$0x3FDB];
	_ =	sdelay $0x1  }
0x99: {  	s19 =	simm.s32 $_scs_section_size  }
0x9a: {  	s4 =	simm.s32 $_size__tile_overlayer_lowered;
	s5 =	simm.s32 $_tile_overlayer_lowered  }
0x9b: {  	s22 =	simm.s32 $0x1BFF;
	s21 =	sshll.u32 s5, $0x1;
	s2 =	sadd.s32 s19, s18  }
0x9c: {  	s6 =	simm.s32 $0x0;
	s20 =	sshll.u32 s4, $0x1;
	s4 =	sadd.s32 s21, s2  }
0x9d: {  	[timem:s6], [sflag:s22] =	dma.local [hbm:s4], s20  }
0x9e: {  	_ =	swait.ge [sflag:s22], s20  }
0x9f: {  	s3 =	ssub.s32 $0x0, s20;
	[sflag:s22] =	ssyncset.done $0x0  }
0xa0: {  	[sflag:s22] =	ssyncadd.s32 s3;
	_ =	sdelay $0x1  }
0xa1: {  	s23 =	simm.s32 $0x1B8B  }
0xa2: {  	_ =	swait.ge [sflag:s23], $0x1  }
0xa3: {  	[sflag:s23] =	ssyncset.done $0x0  }
0xa4: {  	s25 =	simm.s32 $0x1B8E;
	s24 =	sld [smem:$0x3FFE];
	[sflag:s23] =	ssyncadd.s32 $0xFFFFFFFF  }
0xa5: {  	s26 =	simm.s32 $execute0_lowered;
	[smem:$0x3FD2] =	sst s25  }
0xa6: {  	s4 =	sshll.u32 s26, $0x1;
	_ =	strace $0x80000046;
	[dreg:$0x1] =	wrdreg $0xFFFFFFFF  }
0xa7: {  	s28 =	simm.s32 $_size_execute0_lowered;
	s2 =	sadd.s32 s2, s4;
	[dreg:$0x0] =	wrdreg $0x0  }
0xa8: {  	s4 =	sshll.u32 s28, $0x1;
	[dreg:$0x2] =	wrdreg s2  }
0xa9: {  	[dreg:$0x3] =	wrdreg s4  }
0xaa: {  	[dreg:$0x4] =	wrdreg $0xC0  }
0xab: {  	_ =	task [dreg:s6], $0x5FFFF  }
0xac: {  	[dreg:$0x1] =	wrdreg $0xFFFFFFFF  }
0xad: {  	[dreg:$0x0] =	wrdreg $0x60  }
0xae: {  	[dreg:$0x2] =	wrdreg s24  }
0xaf: {  	[dreg:$0x3] =	wrdreg $0xA8000  }
0xb0: {  	[dreg:$0x4] =	wrdreg $0x9  }
0xb1: {  	_ =	task.clear_ibuf [dreg:s6], $0x5FFFF;
	_ =	strace $0x90000046  }
0xb2: {  	s29 =	simm.s32 $0x9;
	_ =	strace $0x80000048  }
0xb3: {  	_ =	swait.ge [sflag:s29], $0x1  }
0xb4: {  	[sflag:s29] =	ssyncadd.s32 $0xFFFFFFFF  }
0xb5: {  	_ =	strace $0x90000048  }
0xb6: {  	_ =	sfence  }
0xb7: {  	s30 =	sld [smem:$0x0];
	_ =	sdelay $0x2  }
0xb8: {  	s31 =	sshll.u32 s1, $0xD;
	s1 =	sshrl.u32 s1, $0x2  }
0xb9: {  	s3 =	sand.u32 $0x4000, s31;
	s1 =	sadd.s32 s1, s30  }
0xba: {  	s0 =	sor.u32 s3, s0;
	s1 =	sshll.u32 s1, $0x11  }
0xbb: {  	s0 =	sor.u32 s1, s0  }
0xbc: {  	s0 =	sadd.s32 $0x8F2B, s0  }
0xbd: {  	[sflag:s0] =	ssyncadd.remote.s32 $0x1  }
0xbe: {  	_ =	sfence.sel $0xFFFF  }
0xbf: {  	[dreg:$0x0] =	wrdreg $0xFFFFFFFF;
	(pc) =	sbr.abs _section_cstart, $3  }
0xc0: {  	[dreg:$0x1] =	wrdreg $0xFFFFFFFF  }
0xc1: {  	_ =	task.clear_ibuf [dreg:s6], $0x2FFFF;
	_ =	strace $0x9FFFFFFF  }
0xc2: {  	(tm) =	ssettm $0x7FFFFFFF  }
0xc3: {  	_ =	shalt  }
tec
execute0_lowered:
.L_overlay_start_1:
0x0: {  	(tag) =	ssettag $0x1  }
0x1: {  	s6 =	rddreg [dreg:$0x0]  }
0x2: {  	s1 =	rddreg [dreg:$0x1]  }
0x3: {  	s2 =	srdreg.scid;
	s0 =	rddreg [dreg:$0x2]  }
0x4: {  	s3 =	simm.s32 $0x0;
	s17 =	simm.s32 $0x2;
	s18 =	simm.s32 $0x80  }
0x5: {  	s19 =	simm.s32 $0x2800;
	s20 =	simm.s32 $0x6800;
	s21 =	simm.s32 $0x1380  }
0x6: {  	s22 =	simm.s32 $0x2700;
	s23 =	simm.s32 $0x2780;
	s24 =	simm.s32 $0x0  }
0x7: {  	s7 =	sand.u32 $0x1, s2;
	s2 =	stileid.u32;
	[smem:$0x7FF] =	sst s3  }
0x8: {  	s4 =	sadd.s32 $0x3800, s6;
	s10 =	sadd.s32 $0x2AA00, s6;
	s5 =	smul.u32 $0x13C000, s7  }
0x9: {  	s11 =	sadd.s32 $0x34A00, s6;
	s8 =	smul.u32 $0x13C00, s2;
	_ =	strace $0x80000047  }
0xa: {  	s9 =	sshll.u32 s2, $0x1;
	s30 =	ssub.s32 $0x2, s7;
	s31 =	smul.u32 $0x4F000, s2  }
0xb: {  	s14 =	sshll.u32 s2, $0x6;
	s28 =	sor.u32 s7, s9;
	s7 =	sshrl.u32 s30, $0x1  }
0xc: {  	s5 =	sadd.s32 s8, s5;
	s8 =	smul.u32 $0x2800, s28;
	s13 =	ssub.s32 s30, s7  }
0xd: {  	s9 =	sshrl.u32 s31, $0x2;
	s29 =	sshrl.u32 s5, $0x3;
	s5 =	sadd.s32 $0x3EA00, s6  }
0xe: {  	s16 =	sadd.s32 s9, s1;
	s12 =	sadd.s32 s29, s6;
	s8 =	sshrl.u32 s8, $0x3  }
0xf: {  	s6 =	sadd.s32 s10, s8;
	s7 =	sadd.s32 s11, s8;
	s15 =	sadd.s32 $0x280, s8  }
0x10: {  	s8 =	sor.u32 $0x1C03, s14;
	s14 =	sshrl.u32 s16, $0x3;
	s16 =	simm.s32 $0x1  }
0x11: {  	s9 =	sadd.s32 s10, s15;
	s10 =	sadd.s32 s11, s15;
	s11 =	sadd.s32 $0x41200, s12  }
0x12: {  	s12 =	smax.u32 s13, $0x1;
	s13 =	simm.s32 $0x1400;
	s15 =	simm.s32 $0x3  }
.LBB2_1:
0x13: {  	[tilespmem:s3], [sflag:$0x1] =	stream.linear.gather [hbm4b:s6+s3], $0x1400, $0x38;
	[tilespmem:$0x1E400] =	vst v63  }
0x14: {  	_ = 	snop  }
0x15: {  	[tilespmem:s13], [sflag:$0x2] =	stream.linear.gather [hbm4b:s7+s3], $0x1400, $0x38;
	[tilespmem:$0x1E400] =	vst v63  }
0x16: {  	[spmem:s14], [sflag:s8] =	dma.local [hbm:s5], $0x2780  }
0x17: {  	_ =	swait.ge [sflag:s15], $0x2780  }
0x18: {  	[sflag:s15] =	ssyncset.done $0x0  }
0x19: {  	[sflag:s15] =	ssyncadd.s32 $0xFFFFD880  }
0x1a: {  	_ =	swait.ge [sflag:s16], $0x1400  }
0x1b: {  	[sflag:s16] =	ssyncset.done $0x0  }
0x1c: {  	[sflag:s16] =	ssyncadd.s32 $0xFFFFEC00  }
0x1d: {  	_ =	swait.ge [sflag:s17], $0x1400  }
0x1e: {  	[sflag:s17] =	ssyncset.done $0x0  }
0x1f: {  	[sflag:s17] =	ssyncadd.s32 $0xFFFFEC00  }
0x20: {  	[bflag:$0x0] =	sbarrier.arrive $0xFFFF  }
0x21: {  	[tilespmem:s19], [sflag:$0x1] =	stream.indirect.gather [hbm4b:s4+s18], $0x80, s3, s18, $0xb8;
	[tilespmem:$0x1E400] =	vst v63  }
0x22: {  	s25 =	simm.s32 $0x80  }
0x23: {  	[tilespmem:s20], [sflag:$0x2] =	stream.indirect.gather [hbm4b:s4+s18], $0x80, s25, s18, $0xb8;
	[tilespmem:$0x1E400] =	vst v63  }
0x24: {  	_ =	swait.ge [sflag:s16], $0x4000  }
0x25: {  	[sflag:s16] =	ssyncset.done $0x0  }
0x26: {  	s29 =	simm.s32 $0x1400;
	[sflag:s16] =	ssyncadd.s32 $0xFFFFC000  }
0x27: {  	[spmem:s1] =	stream.indirect.scatter.add.f32 [tilespmem:s19], [sflag:$0x3], $0x80, s29, s18, $0xb8;
	[tilespmem:$0x1E400] =	vst v63  }
0x28: {  	_ =	swait.ge [sflag:s15], $0x4000  }
0x29: {  	[sflag:s15] =	ssyncset.done $0x0  }
0x2a: {  	s30 =	simm.s32 $0x100;
	[sflag:s15] =	ssyncadd.s32 $0xFFFFC000  }
0x2b: {  	[tilespmem:s19], [sflag:$0x1] =	stream.indirect.gather [hbm4b:s4+s18], $0x80, s30, s18, $0xb8;
	[tilespmem:$0x1E400] =	vst v63  }
0x2c: {  	_ =	swait.ge [sflag:s17], $0x4000  }
0x2d: {  	[sflag:s17] =	ssyncset.done $0x0  }
0x2e: {  	s31 =	simm.s32 $0x1480;
	[sflag:s17] =	ssyncadd.s32 $0xFFFFC000  }
0x2f: {  	[spmem:s1] =	stream.indirect.scatter.add.f32 [tilespmem:s20], [sflag:$0x3], $0x80, s31, s18, $0xb8;
	[tilespmem:$0x1E400] =	vst v63  }
0x30: {  	_ =	swait.ge [sflag:s15], $0x4000  }
0x31: {  	s26 =	simm.s32 $0x800;
	s25 =	simm.s32 $0x100;
	[sflag:s15] =	ssyncset.done $0x0  }
.LBB2_2:
0x32: {  	s28 =	sadd.s32 $0x80, s25  }
0x33: {  	[sflag:s15] =	ssyncadd.s32 $0xFFFFC000;
	s29 =	smov.u32 s26;
	s30 =	sadd.s32 $0x400, s26  }
0x34: {  	[tilespmem:s20], [sflag:$0x2] =	stream.indirect.gather [hbm4b:s4+s18], $0x80, s28, s18, $0xb8;
	[tilespmem:$0x1E400] =	vst v63  }
0x35: {  	p0 =	sne.s32 s26, $0x4800;
	_ =	swait.ge [sflag:s16], $0x4000  }
0x36: {  	[sflag:s16] =	ssyncset.done $0x0  }
0x37: {  	s26 =	sadd.s32 $0x1400, s25;
	[sflag:s16] =	ssyncadd.s32 $0xFFFFC000  }
0x38: {  	[spmem:s1] =	stream.indirect.scatter.add.f32 [tilespmem:s19], [sflag:$0x3], $0x80, s26, s18, $0xb8;
	[tilespmem:$0x1E400] =	vst v63  }
0x39: {  	_ =	swait.ge [sflag:s15], $0x4000  }
0x3a: {  	[sflag:s15] =	ssyncset.done $0x0  }
0x3b: {  	s26 =	sadd.s32 $0x100, s25;
	[sflag:s15] =	ssyncadd.s32 $0xFFFFC000  }
0x3c: {  	[tilespmem:s19], [sflag:$0x1] =	stream.indirect.gather [hbm4b:s4+s18], $0x80, s26, s18, $0xb8;
	[tilespmem:$0x1E400] =	vst v63  }
0x3d: {  	_ =	swait.ge [sflag:s17], $0x4000  }
.Ltmp0:
0x3e: {  	[sflag:s17] =	ssyncset.done $0x0;
	(pc) =	sbr.rel @p0 .LBB2_2-.Ltmp0, $4  }
0x3f: {  	s25 =	sadd.s32 $0x1480, s25;
	[sflag:s17] =	ssyncadd.s32 $0xFFFFC000  }
0x40: {  	[spmem:s1] =	stream.indirect.scatter.add.f32 [tilespmem:s20], [sflag:$0x3], $0x80, s25, s18, $0xb8;
	[tilespmem:$0x1E400] =	vst v63  }
0x41: {  	_ =	swait.ge [sflag:s15], $0x4000  }
0x42: {  	s26 =	smov.u32 s30;
	s25 =	sshra.s32 s29, $0x2;
	[sflag:s15] =	ssyncset.done $0x0  }
0x43: {  	s26 =	sadd.s32 $0x80, s25;
	[sflag:s15] =	ssyncadd.s32 $0xFFFFC000  }
0x44: {  	[tilespmem:s20], [sflag:$0x2] =	stream.indirect.gather [hbm4b:s4+s18], $0x80, s26, s18, $0xb8;
	[tilespmem:$0x1E400] =	vst v63  }
0x45: {  	_ =	swait.ge [sflag:s16], $0x4000  }
0x46: {  	[sflag:s16] =	ssyncset.done $0x0  }
0x47: {  	s29 =	sadd.s32 $0x1400, s25;
	[sflag:s16] =	ssyncadd.s32 $0xFFFFC000  }
0x48: {  	[spmem:s1] =	stream.indirect.scatter.add.f32 [tilespmem:s19], [sflag:$0x3], $0x80, s29, s18, $0xb8;
	[tilespmem:$0x1E400] =	vst v63  }
0x49: {  	_ =	swait.ge [sflag:s15], $0x4000  }
0x4a: {  	[sflag:s15] =	ssyncset.done $0x0  }
0x4b: {  	s30 =	sadd.s32 $0x100, s25;
	[sflag:s15] =	ssyncadd.s32 $0xFFFFC000  }
0x4c: {  	[tilespmem:s19], [sflag:$0x1] =	stream.indirect.gather [hbm4b:s4+s18], $0x80, s30, s18, $0xb8;
	[tilespmem:$0x1E400] =	vst v63  }
0x4d: {  	_ =	swait.ge [sflag:s17], $0x4000  }
0x4e: {  	[sflag:s17] =	ssyncset.done $0x0  }
0x4f: {  	s31 =	sadd.s32 $0x1480, s25;
	[sflag:s17] =	ssyncadd.s32 $0xFFFFC000  }
0x50: {  	[spmem:s1] =	stream.indirect.scatter.add.f32 [tilespmem:s20], [sflag:$0x3], $0x80, s31, s18, $0xb8;
	[tilespmem:$0x1E400] =	vst v63  }
0x51: {  	_ =	swait.ge [sflag:s15], $0x4000  }
0x52: {  	[sflag:s15] =	ssyncset.done $0x0  }
0x53: {  	[sflag:s15] =	ssyncadd.s32 $0xFFFFC000  }
0x54: {  	[tilespmem:s20], [sflag:$0x2] =	stream.indirect.gather [hbm4b:s4+s18], $0x80, s21, s18, $0xb8;
	[tilespmem:$0x1E400] =	vst v63  }
0x55: {  	_ =	swait.ge [sflag:s16], $0x4000  }
0x56: {  	[sflag:s16] =	ssyncset.done $0x0  }
0x57: {  	[sflag:s16] =	ssyncadd.s32 $0xFFFFC000  }
0x58: {  	[spmem:s1] =	stream.indirect.scatter.add.f32 [tilespmem:s19], [sflag:$0x3], $0x80, s22, s18, $0xb8;
	[tilespmem:$0x1E400] =	vst v63  }
0x59: {  	_ =	swait.ge [sflag:s15], $0x4000  }
0x5a: {  	[sflag:s15] =	ssyncset.done $0x0  }
0x5b: {  	[sflag:s15] =	ssyncadd.s32 $0xFFFFC000  }
0x5c: {  	_ =	swait.ge [sflag:s17], $0x4000  }
0x5d: {  	[sflag:s17] =	ssyncset.done $0x0  }
0x5e: {  	[sflag:s17] =	ssyncadd.s32 $0xFFFFC000  }
0x5f: {  	[spmem:s1] =	stream.indirect.scatter.add.f32 [tilespmem:s20], [sflag:$0x3], $0x80, s23, s18, $0xb8;
	[tilespmem:$0x1E400] =	vst v63  }
0x60: {  	_ =	swait.ge [sflag:s15], $0x4000  }
0x61: {  	[sflag:s15] =	ssyncset.done $0x0  }
0x62: {  	s26 =	simm.s32 $0x0;
	[sflag:s15] =	ssyncadd.s32 $0xFFFFC000  }
0x63: {  	[tilespmem:s26], [sflag:$0x3] =	stream.linear.gather [hbm4b:s9+s26], $0x1400, $0x38;
	[tilespmem:$0x1E400] =	vst v63  }
0x64: {  	_ =	swait.ge [sflag:s15], $0x1400  }
0x65: {  	[sflag:s15] =	ssyncset.done $0x0  }
0x66: {  	[sflag:s15] =	ssyncadd.s32 $0xFFFFEC00  }
0x67: {  	[tilespmem:s13], [sflag:$0x3] =	stream.linear.gather [hbm4b:s10+s26], $0x1400, $0x38;
	[tilespmem:$0x1E400] =	vst v63  }
0x68: {  	_ =	swait.ge [sflag:s15], $0x1400  }
0x69: {  	[sflag:s15] =	ssyncset.done $0x0  }
0x6a: {  	[sflag:s15] =	ssyncadd.s32 $0xFFFFEC00  }
0x6b: {  	[tilespmem:s19], [sflag:$0x1] =	stream.indirect.gather [hbm4b:s4+s18], $0x80, s26, s18, $0xb8;
	[tilespmem:$0x1E400] =	vst v63  }
0x6c: {  	s28 =	simm.s32 $0x80  }
0x6d: {  	[tilespmem:s20], [sflag:$0x2] =	stream.indirect.gather [hbm4b:s4+s18], $0x80, s28, s18, $0xb8;
	[tilespmem:$0x1E400] =	vst v63  }
0x6e: {  	_ =	swait.ge [sflag:s16], $0x4000  }
0x6f: {  	[sflag:s16] =	ssyncset.done $0x0  }
0x70: {  	s29 =	simm.s32 $0x1400;
	[sflag:s16] =	ssyncadd.s32 $0xFFFFC000  }
0x71: {  	[spmem:s1] =	stream.indirect.scatter.add.f32 [tilespmem:s19], [sflag:$0x3], $0x80, s29, s18, $0xb8;
	[tilespmem:$0x1E400] =	vst v63  }
0x72: {  	_ =	swait.ge [sflag:s15], $0x4000  }
0x73: {  	[sflag:s15] =	ssyncset.done $0x0  }
0x74: {  	s30 =	simm.s32 $0x100;
	[sflag:s15] =	ssyncadd.s32 $0xFFFFC000  }
0x75: {  	[tilespmem:s19], [sflag:$0x1] =	stream.indirect.gather [hbm4b:s4+s18], $0x80, s30, s18, $0xb8;
	[tilespmem:$0x1E400] =	vst v63  }
0x76: {  	_ =	swait.ge [sflag:s17], $0x4000  }
0x77: {  	[sflag:s17] =	ssyncset.done $0x0  }
0x78: {  	s31 =	simm.s32 $0x1480;
	[sflag:s17] =	ssyncadd.s32 $0xFFFFC000  }
0x79: {  	[spmem:s1] =	stream.indirect.scatter.add.f32 [tilespmem:s20], [sflag:$0x3], $0x80, s31, s18, $0xb8;
	[tilespmem:$0x1E400] =	vst v63  }
0x7a: {  	_ =	swait.ge [sflag:s15], $0x4000  }
0x7b: {  	s25 =	simm.s32 $0x100;
	s26 =	simm.s32 $0x800;
	[sflag:s15] =	ssyncset.done $0x0  }
.LBB2_4:
0x7c: {  	s28 =	sadd.s32 $0x80, s25  }
0x7d: {  	[sflag:s15] =	ssyncadd.s32 $0xFFFFC000;
	s29 =	smov.u32 s26;
	s30 =	sadd.s32 $0x400, s26  }
0x7e: {  	[tilespmem:s20], [sflag:$0x2] =	stream.indirect.gather [hbm4b:s4+s18], $0x80, s28, s18, $0xb8;
	[tilespmem:$0x1E400] =	vst v63  }
0x7f: {  	p0 =	sne.s32 s26, $0x4800;
	_ =	swait.ge [sflag:s16], $0x4000  }
0x80: {  	[sflag:s16] =	ssyncset.done $0x0  }
0x81: {  	s26 =	sadd.s32 $0x1400, s25;
	[sflag:s16] =	ssyncadd.s32 $0xFFFFC000  }
0x82: {  	[spmem:s1] =	stream.indirect.scatter.add.f32 [tilespmem:s19], [sflag:$0x3], $0x80, s26, s18, $0xb8;
	[tilespmem:$0x1E400] =	vst v63  }
0x83: {  	_ =	swait.ge [sflag:s15], $0x4000  }
0x84: {  	[sflag:s15] =	ssyncset.done $0x0  }
0x85: {  	s26 =	sadd.s32 $0x100, s25;
	[sflag:s15] =	ssyncadd.s32 $0xFFFFC000  }
0x86: {  	[tilespmem:s19], [sflag:$0x1] =	stream.indirect.gather [hbm4b:s4+s18], $0x80, s26, s18, $0xb8;
	[tilespmem:$0x1E400] =	vst v63  }
0x87: {  	_ =	swait.ge [sflag:s17], $0x4000  }
.Ltmp1:
0x88: {  	[sflag:s17] =	ssyncset.done $0x0;
	(pc) =	sbr.rel @p0 .LBB2_4-.Ltmp1, $4  }
0x89: {  	s25 =	sadd.s32 $0x1480, s25;
	[sflag:s17] =	ssyncadd.s32 $0xFFFFC000  }
0x8a: {  	[spmem:s1] =	stream.indirect.scatter.add.f32 [tilespmem:s20], [sflag:$0x3], $0x80, s25, s18, $0xb8;
	[tilespmem:$0x1E400] =	vst v63  }
0x8b: {  	_ =	swait.ge [sflag:s15], $0x4000  }
0x8c: {  	s26 =	smov.u32 s30;
	s25 =	sshra.s32 s29, $0x2;
	[sflag:s15] =	ssyncset.done $0x0  }
0x8d: {  	s26 =	sadd.s32 $0x80, s25;
	[sflag:s15] =	ssyncadd.s32 $0xFFFFC000  }
0x8e: {  	[tilespmem:s20], [sflag:$0x2] =	stream.indirect.gather [hbm4b:s4+s18], $0x80, s26, s18, $0xb8;
	[tilespmem:$0x1E400] =	vst v63  }
0x8f: {  	_ =	swait.ge [sflag:s16], $0x4000  }
0x90: {  	[sflag:s16] =	ssyncset.done $0x0  }
0x91: {  	s29 =	sadd.s32 $0x1400, s25;
	[sflag:s16] =	ssyncadd.s32 $0xFFFFC000  }
0x92: {  	[spmem:s1] =	stream.indirect.scatter.add.f32 [tilespmem:s19], [sflag:$0x3], $0x80, s29, s18, $0xb8;
	[tilespmem:$0x1E400] =	vst v63  }
0x93: {  	_ =	swait.ge [sflag:s15], $0x4000  }
0x94: {  	[sflag:s15] =	ssyncset.done $0x0  }
0x95: {  	s30 =	sadd.s32 $0x100, s25;
	[sflag:s15] =	ssyncadd.s32 $0xFFFFC000  }
0x96: {  	[tilespmem:s19], [sflag:$0x1] =	stream.indirect.gather [hbm4b:s4+s18], $0x80, s30, s18, $0xb8;
	[tilespmem:$0x1E400] =	vst v63  }
0x97: {  	_ =	swait.ge [sflag:s17], $0x4000  }
0x98: {  	[sflag:s17] =	ssyncset.done $0x0  }
0x99: {  	s31 =	sadd.s32 $0x1480, s25;
	[sflag:s17] =	ssyncadd.s32 $0xFFFFC000  }
0x9a: {  	[spmem:s1] =	stream.indirect.scatter.add.f32 [tilespmem:s20], [sflag:$0x3], $0x80, s31, s18, $0xb8;
	[tilespmem:$0x1E400] =	vst v63  }
0x9b: {  	_ =	swait.ge [sflag:s15], $0x4000  }
0x9c: {  	[sflag:s15] =	ssyncset.done $0x0  }
0x9d: {  	[sflag:s15] =	ssyncadd.s32 $0xFFFFC000  }
0x9e: {  	[tilespmem:s20], [sflag:$0x2] =	stream.indirect.gather [hbm4b:s4+s18], $0x80, s21, s18, $0xb8;
	[tilespmem:$0x1E400] =	vst v63  }
0x9f: {  	_ =	swait.ge [sflag:s16], $0x4000  }
0xa0: {  	[sflag:s16] =	ssyncset.done $0x0  }
0xa1: {  	[sflag:s16] =	ssyncadd.s32 $0xFFFFC000  }
0xa2: {  	[spmem:s1] =	stream.indirect.scatter.add.f32 [tilespmem:s19], [sflag:$0x3], $0x80, s22, s18, $0xb8;
	[tilespmem:$0x1E400] =	vst v63  }
0xa3: {  	_ =	swait.ge [sflag:s15], $0x4000  }
0xa4: {  	[sflag:s15] =	ssyncset.done $0x0  }
0xa5: {  	[sflag:s15] =	ssyncadd.s32 $0xFFFFC000  }
0xa6: {  	_ =	swait.ge [sflag:s17], $0x4000  }
0xa7: {  	[sflag:s17] =	ssyncset.done $0x0  }
0xa8: {  	[sflag:s17] =	ssyncadd.s32 $0xFFFFC000  }
0xa9: {  	[spmem:s1] =	stream.indirect.scatter.add.f32 [tilespmem:s20], [sflag:$0x3], $0x80, s23, s18, $0xb8;
	[tilespmem:$0x1E400] =	vst v63  }
0xaa: {  	_ =	swait.ge [sflag:s15], $0x4000  }
0xab: {  	s24 =	sadd.s32 $0x1, s24;
	[sflag:s15] =	ssyncset.done $0x0  }
0xac: {  	p0 =	sne.s32 s24, s12;
	[sflag:s15] =	ssyncadd.s32 $0xFFFFC000  }
.Ltmp2:
0xad: {  	[bflag:$0x0] =	sbarrier.arrive $0xFFFF;
	(pc) =	sbr.rel @p0 .LBB2_1-.Ltmp2, $4  }
0xae: {  	[hbm:s11], [sflag:s8] =	dma.local [spmem:s14], $0x2780  }
0xaf: {  	_ =	swait.ge [sflag:s15], $0x2780  }
0xb0: {  	[sflag:s15] =	ssyncset.done $0x0  }
0xb1: {  	[sflag:s15] =	ssyncadd.s32 $0xFFFFD880  }
0xb2: {  	_ =	sfence.sel $0x180000  }
0xb3: {  	[bflag:$0x0] =	sbarrier.arrive $0xFFFF  }
0xb4: {  	p0 =	sne.s32 s2, $0x0;
	_ =	strace $0x90000047  }
0xb5: {  	s0 =	sadd.s32 @!p0 $0x100000, s0;
	[bflag:$0x2] =	sbarrier.arrive $0xFFFF  }
0xb6: {  	[sflag:s0] =	ssyncadd.tile.s32 @!p0 $0x1;
	_ =	shalt  }
.Lfunc_end2:
_tile_overlayer_lowered:
.L_overlay_start_2:
0xb7: {  	(tag) =	ssettag $0x2  }
0xb8: {  	s0 =	rddreg [dreg:$0x0];
	s2 =	stileid.u32  }
0xb9: {  	s1 =	rddreg [dreg:$0x1];
	p0 =	sne.s32 s2, $0x0  }
0xba: {  	s3 =	rddreg [dreg:$0x2];
	[bflag:$0x3] =	sbarrier.arrive $0xFFFF;
	s2 =	simm.s32 @!p0 $0x1C03  }
0xbb: {  	[timem:s3], [sflag:s2] =	dma.local @!p0 [hbm:s0], s1  }
0xbc: {  	s0 =	simm.s32 @!p0 $0x3  }
0xbd: {  	_ =	swait.ge @!p0 [sflag:s0], s1  }
0xbe: {  	s1 =	ssub.s32 @!p0 $0x0, s1;
	[sflag:s0] =	ssyncset.done @!p0 $0x0  }
0xbf: {  	[sflag:s0] =	ssyncadd.s32 @!p0 s1  }
0xc0: {  	[bflag:$0x3] =	sbarrier.arrive $0xFFFF  }
0xc1: {  	_ =	shalt  }

</sc_bundles>
